<compile_context>
chip_gen: v7x
topology: tpu7x:2x2x1
jax: 0.10.2.dev20260603
libtpu: 0.0.44.dev20260713+nightly
codegen_flags: <defaults>
</compile_context>

<pallas_src>
import functools

import jax
import jax.numpy as jnp
from jax import lax
from jax.experimental import pallas as pl
from jax.experimental.pallas import tpu as pltpu
from jax.experimental.pallas import tpu_sc as plsc

V = 1000
B = 1024
T = 50
N = B * T
TPAD = 64

NC = 2
NS = 16
NW = NC * NS
BATCHES_PER_W = B // NW
L = 16
NG = (T + L - 1) // L


def _lse_body(table_ref, lse_ref):
    t = table_ref[...]
    m = jnp.max(t, axis=1)
    s = jnp.sum(jnp.exp(t - m[:, None]), axis=1)
    lse_ref[...] = m + jnp.log(s)


def _row_lse(table):
    return pl.pallas_call(
        _lse_body,
        out_shape=jax.ShapeDtypeStruct((V,), jnp.float32),
    )(table)


_sc_mesh = plsc.VectorSubcoreMesh(core_axis_name="c", subcore_axis_name="s")


@functools.partial(
    pl.kernel,
    mesh=_sc_mesh,
    compiler_params=pltpu.CompilerParams(
        use_tc_tiling_on_sc=False, needs_layout_passes=False),
    out_type=(
        jax.ShapeDtypeStruct((B, T, V), jnp.float32),
        jax.ShapeDtypeStruct((NW * L,), jnp.float32),
    ),
    scratch_types=[
        pltpu.VMEM((BATCHES_PER_W * TPAD,), jnp.int32),
        pltpu.VMEM((BATCHES_PER_W * TPAD,), jnp.int32),
        pltpu.VMEM((V,), jnp.float32),
        pltpu.VMEM((T, V), jnp.float32),
        pltpu.VMEM((T, V), jnp.float32),
        pltpu.VMEM((L,), jnp.float32),
        pltpu.SemaphoreType.DMA,
        pltpu.SemaphoreType.DMA,
        pltpu.SemaphoreType.DMA,
        pltpu.SemaphoreType.DMA,
    ],
)
def _sc_main(xp_hbm, tp_hbm, lse_hbm, table_hbm, out_hbm, loss_hbm,
             xv, tv, lsev, rows0, rows1, accv,
             gsem0, gsem1, ssem0, ssem1):
    bufs = (rows0, rows1)
    gsems = (gsem0, gsem1)
    ssems = (ssem0, ssem1)
    wid = lax.axis_index("s") * NC + lax.axis_index("c")
    base = wid * BATCHES_PER_W
    pltpu.sync_copy(
        xp_hbm.at[pl.ds(base * TPAD, BATCHES_PER_W * TPAD)], xv)
    pltpu.sync_copy(
        tp_hbm.at[pl.ds(base * TPAD, BATCHES_PER_W * TPAD)], tv)
    pltpu.sync_copy(lse_hbm, lsev)

    def gather_issue(k, b):
        pltpu.async_copy(
            table_hbm.at[xv.at[pl.ds(k * TPAD, T)]], bufs[b], gsems[b])

    def gather_wait(b):
        pltpu.make_async_copy(
            table_hbm.at[pl.ds(0, T)], bufs[b], gsems[b]).wait()

    def scatter_issue(k, b):
        pltpu.async_copy(bufs[b], out_hbm.at[base + k], ssems[b])

    def scatter_wait(b):
        pltpu.make_async_copy(bufs[b], out_hbm.at[0], ssems[b]).wait()

    def chunk_loss(k, b, acc):
        for g in range(NG):
            sl = pl.ds(k * TPAD + g * L, L)
            xg = xv[sl]
            tg = tv[sl]
            row0 = g * L
            if row0 + L <= T:
                row_ids = lax.iota(jnp.int32, L) + row0
                picked = plsc.load_gather(bufs[b], [row_ids, tg])
                lx = plsc.load_gather(lsev, [xg])
                acc = acc + (lx - picked)
            else:
                ri = lax.iota(jnp.int32, L)
                mask = ri < (T - row0)
                row_ids = jnp.minimum(ri + row0, T - 1)
                picked = plsc.load_gather(bufs[b], [row_ids, tg])
                lx = plsc.load_gather(lsev, [xg])
                acc = acc + jnp.where(mask, lx - picked,
                                      jnp.zeros((L,), jnp.float32))
        return acc

    gather_issue(0, 0)

    def outer_body(o, acc):
        for b in range(2):
            k = 2 * o + b
            nb = 1 - b
            if b == 0:
                @pl.when(o >= 1)
                def _():
                    scatter_wait(nb)
                gather_issue(k + 1, nb)
            else:
                scatter_wait(nb)

                @pl.when(o <= BATCHES_PER_W // 2 - 2)
                def _():
                    gather_issue(k + 1, nb)
            gather_wait(b)
            acc = chunk_loss(k, b, acc)
            scatter_issue(k, b)
        return acc

    acc = lax.fori_loop(0, BATCHES_PER_W // 2, outer_body,
                        jnp.zeros((L,), jnp.float32))
    scatter_wait(1)
    accv[...] = acc
    pltpu.sync_copy(accv, loss_hbm.at[pl.ds(wid * L, L)])


def kernel(x, target, table):
    lse = _row_lse(table)
    xp = jnp.pad(x, ((0, 0), (0, TPAD - T))).reshape(-1)
    tp = jnp.pad(target, ((0, 0), (0, TPAD - T))).reshape(-1)
    logits, loss_parts = _sc_main(xp, tp, lse, table)
    loss = jnp.sum(loss_parts) / jnp.float32(N)
    return (logits, loss)

# --- scband reference (transcript-rebuilt; emitter-appended) ---
"""Pipeline reference for scband-model-65377992179780 (READ-ONLY COPY).

The authoritative reference and input builder live on the scoring server;
editing this copy changes nothing except your own understanding.
"""

import jax, jax.numpy as jnp
import numpy as np

V = 1000
B = 1024
T = 50

def setup_inputs(seed: int = 0) -> dict:
    key = jax.random.key(seed)
    k1, k2, k3 = jax.random.split(key, 3)
    x = jax.random.randint(k1, (B, T), 0, V, dtype=jnp.int32)
    target = jax.random.randint(k2, (B, T), 0, V, dtype=jnp.int32)
    # nn.Embedding weight init: N(0, 1)
    table = jax.random.normal(k3, (V, V), dtype=jnp.float32)
    return {"x": x, "target": target, "table": table}

def reference(x, target, table):
    # logits = embedding lookup: gather rows of the V x V table
    logits = jnp.take(table, x, axis=0)  # [B, T, V]
    b, t, c = logits.shape
    flat_logits = logits.reshape(b * t, c)
    flat_target = target.reshape(b * t)
    # F.cross_entropy with mean reduction
    lsm = jax.nn.log_softmax(flat_logits, axis=-1)
    nll = -jnp.take_along_axis(lsm, flat_target[:, None], axis=1)[:, 0]
    loss = jnp.mean(nll)
    return (logits, loss)

if __name__ == "__main__":
    import jax
    _d = setup_inputs()
    print(jax.jit(kernel)(*tuple(_d.values())))

</pallas_src>

<mosaic_0001>
#map = affine_map<(d0, d1) -> (0)>
#map1 = affine_map<(d0, d1) -> (0, 0)>
#map2 = affine_map<(d0, d1) -> (0, 0, 0)>
module attributes {stable_mosaic.version = 14 : i64} {
  func.func @_sc_main(%arg0: i32, %arg1: i32, %arg2: memref<65536xi32, #tpu.memory_space<hbm>>, %arg3: memref<65536xi32, #tpu.memory_space<hbm>>, %arg4: memref<1000xf32, #tpu.memory_space<hbm>>, %arg5: memref<1000x1000xf32, #tpu.memory_space<hbm>>, %arg6: memref<1024x50x1000xf32, #tpu.memory_space<hbm>>, %arg7: memref<512xf32, #tpu.memory_space<hbm>>, %arg8: memref<2048xi32, #tpu.memory_space<vmem>>, %arg9: memref<2048xi32, #tpu.memory_space<vmem>>, %arg10: memref<1000xf32, #tpu.memory_space<vmem>>, %arg11: memref<50x1000xf32, #tpu.memory_space<vmem>>, %arg12: memref<50x1000xf32, #tpu.memory_space<vmem>>, %arg13: memref<16xf32, #tpu.memory_space<vmem>>, %arg14: memref<!tpu.dma_semaphore, #tpu.memory_space<semaphore_mem>>, %arg15: memref<!tpu.dma_semaphore, #tpu.memory_space<semaphore_mem>>, %arg16: memref<!tpu.dma_semaphore, #tpu.memory_space<semaphore_mem>>, %arg17: memref<!tpu.dma_semaphore, #tpu.memory_space<semaphore_mem>>) attributes {dimension_semantics = [#tpu.dimension_semantics<core_parallel>, #tpu.dimension_semantics<subcore_parallel>], iteration_bounds = array<i64: 2, 16>, scalar_prefetch = 0 : i64, scratch_operands = 10 : i64, tpu.core_type = #tpu.core_type<sc_vector_subcore>, window_params = [{transform_indices = #map}, {transform_indices = #map}, {transform_indices = #map}, {transform_indices = #map1}, {transform_indices = #map2}, {transform_indices = #map}]} {
    %mul3A = arith.constant 2 : i32
    %mul3A_0 = arith.muli %arg1, %mul3A : i32
    %add3A = arith.addi %mul3A_0, %arg0 : i32
    %mul3A_1 = arith.constant 32 : i32
    %mul3A_2 = arith.muli %add3A, %mul3A_1 : i32
    %mul3A_3 = arith.constant 64 : i32
    %mul3A_4 = arith.muli %mul3A_2, %mul3A_3 : i32
    "tpu.region"() ({
      %run_scoped3A = tpu.sem_alloc : memref<!tpu.dma_semaphore, #tpu.memory_space<semaphore_mem>>
      %dma_start3A_28 = tpu.memref_slice %arg2[%mul3A_4] : memref<65536xi32, #tpu.memory_space<hbm>> -> memref<2048xi32, #tpu.memory_space<hbm>>
      %dma_start3A_29 = tpu.memref_slice %arg2[%mul3A_4] : memref<65536xi32, #tpu.memory_space<hbm>> -> memref<2048xi32, #tpu.memory_space<hbm>>
      tpu.enqueue_dma source(%dma_start3A_29 : memref<2048xi32, #tpu.memory_space<hbm>>) target(%arg8 : memref<2048xi32, #tpu.memory_space<vmem>>) target_semaphore(%run_scoped3A : memref<!tpu.dma_semaphore, #tpu.memory_space<semaphore_mem>>)
      %dma_wait3A_30 = tpu.memref_slice %arg2[%mul3A_4] : memref<65536xi32, #tpu.memory_space<hbm>> -> memref<2048xi32, #tpu.memory_space<hbm>>
      %dma_wait3A_31 = tpu.memref_slice %arg2[%mul3A_4] : memref<65536xi32, #tpu.memory_space<hbm>> -> memref<2048xi32, #tpu.memory_space<hbm>>
      tpu.wait_dma2 semaphore(%run_scoped3A : memref<!tpu.dma_semaphore, #tpu.memory_space<semaphore_mem>>) src(%dma_wait3A_31 : memref<2048xi32, #tpu.memory_space<hbm>>) dst(%arg8 : memref<2048xi32, #tpu.memory_space<vmem>>)
      tpu.yield
    }) : () -> ()
    %mul3A_5 = arith.constant 64 : i32
    %mul3A_6 = arith.muli %mul3A_2, %mul3A_5 : i32
    "tpu.region"() ({
      %run_scoped3A = tpu.sem_alloc : memref<!tpu.dma_semaphore, #tpu.memory_space<semaphore_mem>>
      %dma_start3A_28 = tpu.memref_slice %arg3[%mul3A_6] : memref<65536xi32, #tpu.memory_space<hbm>> -> memref<2048xi32, #tpu.memory_space<hbm>>
      %dma_start3A_29 = tpu.memref_slice %arg3[%mul3A_6] : memref<65536xi32, #tpu.memory_space<hbm>> -> memref<2048xi32, #tpu.memory_space<hbm>>
      tpu.enqueue_dma source(%dma_start3A_29 : memref<2048xi32, #tpu.memory_space<hbm>>) target(%arg9 : memref<2048xi32, #tpu.memory_space<vmem>>) target_semaphore(%run_scoped3A : memref<!tpu.dma_semaphore, #tpu.memory_space<semaphore_mem>>)
      %dma_wait3A_30 = tpu.memref_slice %arg3[%mul3A_6] : memref<65536xi32, #tpu.memory_space<hbm>> -> memref<2048xi32, #tpu.memory_space<hbm>>
      %dma_wait3A_31 = tpu.memref_slice %arg3[%mul3A_6] : memref<65536xi32, #tpu.memory_space<hbm>> -> memref<2048xi32, #tpu.memory_space<hbm>>
      tpu.wait_dma2 semaphore(%run_scoped3A : memref<!tpu.dma_semaphore, #tpu.memory_space<semaphore_mem>>) src(%dma_wait3A_31 : memref<2048xi32, #tpu.memory_space<hbm>>) dst(%arg9 : memref<2048xi32, #tpu.memory_space<vmem>>)
      tpu.yield
    }) : () -> ()
    "tpu.region"() ({
      %run_scoped3A = tpu.sem_alloc : memref<!tpu.dma_semaphore, #tpu.memory_space<semaphore_mem>>
      tpu.enqueue_dma source(%arg4 : memref<1000xf32, #tpu.memory_space<hbm>>) target(%arg10 : memref<1000xf32, #tpu.memory_space<vmem>>) target_semaphore(%run_scoped3A : memref<!tpu.dma_semaphore, #tpu.memory_space<semaphore_mem>>)
      tpu.wait_dma2 semaphore(%run_scoped3A : memref<!tpu.dma_semaphore, #tpu.memory_space<semaphore_mem>>) src(%arg4 : memref<1000xf32, #tpu.memory_space<hbm>>) dst(%arg10 : memref<1000xf32, #tpu.memory_space<vmem>>)
      tpu.yield
    }) : () -> ()
    %dma_start3A = arith.constant 0 : i32
    %dma_start3A_7 = tpu.memref_slice %arg8[%dma_start3A] : memref<2048xi32, #tpu.memory_space<vmem>> -> memref<50xi32, #tpu.memory_space<vmem>>
    %dma_start3A_8 = arith.constant 0 : i32
    %dma_start3A_9 = arith.constant 0 : i32
    %dma_start3A_10 = tpu.memref_slice %arg5[%dma_start3A_8, %dma_start3A_9] : memref<1000x1000xf32, #tpu.memory_space<hbm>> -> memref<1000x1000xf32, #tpu.memory_space<hbm>>
    tpu.enqueue_indirect_dma source(%dma_start3A_10 : memref<1000x1000xf32, #tpu.memory_space<hbm>>) target(%arg11 : memref<50x1000xf32, #tpu.memory_space<vmem>>) offsets(%dma_start3A_7 : memref<50xi32, #tpu.memory_space<vmem>>) semaphore(%arg14 : memref<!tpu.dma_semaphore, #tpu.memory_space<semaphore_mem>>)
    %broadcast_in_dim3A = arith.constant 0.000000e+00 : f32
    %broadcast_in_dim3A_11 = vector.broadcast %broadcast_in_dim3A : f32 to vector<16xf32>
    %scan3A = arith.constant 0 : i32
    %scan3A_12 = arith.constant 16 : i32
    %scan3A_13 = arith.addi %scan3A, %scan3A_12 : i32
    %scan3A_14 = arith.constant 1 : i32
    %scan3A_15 = scf.for %scan3A_28 = %scan3A to %scan3A_13 step %scan3A_14 iter_args(%scan3A_29 = %broadcast_in_dim3A_11) -> (vector<16xf32>)  : i32 {
      %mul3A_30 = arith.constant 2 : i32
      %mul3A_31 = arith.muli %mul3A_30, %scan3A_28 : i32
      %add3A_32 = arith.constant 0 : i32
      %add3A_33 = arith.addi %mul3A_31, %add3A_32 : i32
      %ge3A = arith.constant 1 : i32
      %ge3A_34 = arith.cmpi sge, %scan3A_28, %ge3A : i32
      %convert_element_type3A = arith.extui %ge3A_34 : i1 to i32
      %cond3A = arith.constant 0 : i32
      %cond3A_35 = arith.cmpi ne, %convert_element_type3A, %cond3A : i32
      scf.if %cond3A_35 {
        %dma_wait3A_230 = arith.constant 0 : i32
        %dma_wait3A_231 = arith.constant 0 : i32
        %dma_wait3A_232 = arith.constant 0 : i32
        %dma_wait3A_233 = tpu.memref_slice %arg6[%dma_wait3A_230, %dma_wait3A_231, %dma_wait3A_232] : memref<1024x50x1000xf32, #tpu.memory_space<hbm>> -> memref<1x50x1000xf32, #tpu.memory_space<hbm>>
        %dma_wait3A_234 = tpu.memref_squeeze %dma_wait3A_233 : memref<1x50x1000xf32, #tpu.memory_space<hbm>> -> memref<50x1000xf32, #tpu.memory_space<hbm>>
        %dma_wait3A_235 = arith.constant 0 : i32
        %dma_wait3A_236 = arith.constant 0 : i32
        %dma_wait3A_237 = tpu.memref_slice %arg6[%dma_wait3A_230, %dma_wait3A_235, %dma_wait3A_236] : memref<1024x50x1000xf32, #tpu.memory_space<hbm>> -> memref<1x50x1000xf32, #tpu.memory_space<hbm>>
        %dma_wait3A_238 = tpu.memref_squeeze %dma_wait3A_237 : memref<1x50x1000xf32, #tpu.memory_space<hbm>> -> memref<50x1000xf32, #tpu.memory_space<hbm>>
        tpu.wait_dma2 semaphore(%arg17 : memref<!tpu.dma_semaphore, #tpu.memory_space<semaphore_mem>>) src(%arg12 : memref<50x1000xf32, #tpu.memory_space<vmem>>) dst(%dma_wait3A_238 : memref<50x1000xf32, #tpu.memory_space<hbm>>)
      } else {
      }
      %add3A_36 = arith.constant 1 : i32
      %add3A_37 = arith.addi %add3A_33, %add3A_36 : i32
      %mul3A_38 = arith.constant 64 : i32
      %mul3A_39 = arith.muli %add3A_37, %mul3A_38 : i32
      %dma_start3A_40 = tpu.memref_slice %arg8[%mul3A_39] : memref<2048xi32, #tpu.memory_space<vmem>> -> memref<50xi32, #tpu.memory_space<vmem>>
      %dma_start3A_41 = arith.constant 0 : i32
      %dma_start3A_42 = arith.constant 0 : i32
      %dma_start3A_43 = tpu.memref_slice %arg5[%dma_start3A_41, %dma_start3A_42] : memref<1000x1000xf32, #tpu.memory_space<hbm>> -> memref<1000x1000xf32, #tpu.memory_space<hbm>>
      tpu.enqueue_indirect_dma source(%dma_start3A_43 : memref<1000x1000xf32, #tpu.memory_space<hbm>>) target(%arg12 : memref<50x1000xf32, #tpu.memory_space<vmem>>) offsets(%dma_start3A_40 : memref<50xi32, #tpu.memory_space<vmem>>) semaphore(%arg15 : memref<!tpu.dma_semaphore, #tpu.memory_space<semaphore_mem>>)
      %dma_wait3A_44 = arith.constant 0 : i32
      %dma_wait3A_45 = arith.constant 0 : i32
      %dma_wait3A_46 = tpu.memref_slice %arg5[%dma_wait3A_44, %dma_wait3A_45] : memref<1000x1000xf32, #tpu.memory_space<hbm>> -> memref<50x1000xf32, #tpu.memory_space<hbm>>
      %dma_wait3A_47 = arith.constant 0 : i32
      %dma_wait3A_48 = arith.constant 0 : i32
      %dma_wait3A_49 = tpu.memref_slice %arg5[%dma_wait3A_47, %dma_wait3A_48] : memref<1000x1000xf32, #tpu.memory_space<hbm>> -> memref<50x1000xf32, #tpu.memory_space<hbm>>
      tpu.wait_dma2 semaphore(%arg14 : memref<!tpu.dma_semaphore, #tpu.memory_space<semaphore_mem>>) src(%dma_wait3A_49 : memref<50x1000xf32, #tpu.memory_space<hbm>>) dst(%arg11 : memref<50x1000xf32, #tpu.memory_space<vmem>>)
      %mul3A_50 = arith.constant 64 : i32
      %mul3A_51 = arith.muli %add3A_33, %mul3A_50 : i32
      %add3A_52 = arith.constant 0 : i32
      %add3A_53 = arith.addi %mul3A_51, %add3A_52 : i32
      %get3A = arith.index_cast %add3A_53 : i32 to index
      %get3A_54 = tpu.vector_load %arg8[%get3A] {strides = array<i32>} : memref<2048xi32, #tpu.memory_space<vmem>>, vector<16xi32>,
      %get3A_55 = arith.index_cast %add3A_53 : i32 to index
      %get3A_56 = tpu.vector_load %arg9[%get3A_55] {strides = array<i32>} : memref<2048xi32, #tpu.memory_space<vmem>>, vector<16xi32>,
      %iota3A = tpu.iota {dimensions = array<i32: 0>} : vector<16xi32>
      %add3A_57 = arith.constant 0 : i32
      %add3A_58 = vector.broadcast %add3A_57 : i32 to vector<16xi32>
      %add3A_59 = arith.addi %iota3A, %add3A_58 : vector<16xi32>
      %gather3A = tpu.vector_load_idx %arg11[%add3A_59, %get3A_56] : memref<50x1000xf32, #tpu.memory_space<vmem>>[vector<16xi32>, vector<16xi32>], vector<16xf32>,
      %gather3A_60 = tpu.vector_load_idx %arg10[%get3A_54] : memref<1000xf32, #tpu.memory_space<vmem>>[vector<16xi32>], vector<16xf32>,
      %sub3A = arith.subf %gather3A_60, %gather3A : vector<16xf32>
      %add3A_61 = arith.addf %scan3A_29, %sub3A : vector<16xf32>
      %mul3A_62 = arith.constant 64 : i32
      %mul3A_63 = arith.muli %add3A_33, %mul3A_62 : i32
      %add3A_64 = arith.constant 16 : i32
      %add3A_65 = arith.addi %mul3A_63, %add3A_64 : i32
      %get3A_66 = arith.index_cast %add3A_65 : i32 to index
      %get3A_67 = tpu.vector_load %arg8[%get3A_66] {strides = array<i32>} : memref<2048xi32, #tpu.memory_space<vmem>>, vector<16xi32>,
      %get3A_68 = arith.index_cast %add3A_65 : i32 to index
      %get3A_69 = tpu.vector_load %arg9[%get3A_68] {strides = array<i32>} : memref<2048xi32, #tpu.memory_space<vmem>>, vector<16xi32>,
      %iota3A_70 = tpu.iota {dimensions = array<i32: 0>} : vector<16xi32>
      %add3A_71 = arith.constant 16 : i32
      %add3A_72 = vector.broadcast %add3A_71 : i32 to vector<16xi32>
      %add3A_73 = arith.addi %iota3A_70, %add3A_72 : vector<16xi32>
      %gather3A_74 = tpu.vector_load_idx %arg11[%add3A_73, %get3A_69] : memref<50x1000xf32, #tpu.memory_space<vmem>>[vector<16xi32>, vector<16xi32>], vector<16xf32>,
      %gather3A_75 = tpu.vector_load_idx %arg10[%get3A_67] : memref<1000xf32, #tpu.memory_space<vmem>>[vector<16xi32>], vector<16xf32>,
      %sub3A_76 = arith.subf %gather3A_75, %gather3A_74 : vector<16xf32>
      %add3A_77 = arith.addf %add3A_61, %sub3A_76 : vector<16xf32>
      %mul3A_78 = arith.constant 64 : i32
      %mul3A_79 = arith.muli %add3A_33, %mul3A_78 : i32
      %add3A_80 = arith.constant 32 : i32
      %add3A_81 = arith.addi %mul3A_79, %add3A_80 : i32
      %get3A_82 = arith.index_cast %add3A_81 : i32 to index
      %get3A_83 = tpu.vector_load %arg8[%get3A_82] {strides = array<i32>} : memref<2048xi32, #tpu.memory_space<vmem>>, vector<16xi32>,
      %get3A_84 = arith.index_cast %add3A_81 : i32 to index
      %get3A_85 = tpu.vector_load %arg9[%get3A_84] {strides = array<i32>} : memref<2048xi32, #tpu.memory_space<vmem>>, vector<16xi32>,
      %iota3A_86 = tpu.iota {dimensions = array<i32: 0>} : vector<16xi32>
      %add3A_87 = arith.constant 32 : i32
      %add3A_88 = vector.broadcast %add3A_87 : i32 to vector<16xi32>
      %add3A_89 = arith.addi %iota3A_86, %add3A_88 : vector<16xi32>
      %gather3A_90 = tpu.vector_load_idx %arg11[%add3A_89, %get3A_85] : memref<50x1000xf32, #tpu.memory_space<vmem>>[vector<16xi32>, vector<16xi32>], vector<16xf32>,
      %gather3A_91 = tpu.vector_load_idx %arg10[%get3A_83] : memref<1000xf32, #tpu.memory_space<vmem>>[vector<16xi32>], vector<16xf32>,
      %sub3A_92 = arith.subf %gather3A_91, %gather3A_90 : vector<16xf32>
      %add3A_93 = arith.addf %add3A_77, %sub3A_92 : vector<16xf32>
      %mul3A_94 = arith.constant 64 : i32
      %mul3A_95 = arith.muli %add3A_33, %mul3A_94 : i32
      %add3A_96 = arith.constant 48 : i32
      %add3A_97 = arith.addi %mul3A_95, %add3A_96 : i32
      %get3A_98 = arith.index_cast %add3A_97 : i32 to index
      %get3A_99 = tpu.vector_load %arg8[%get3A_98] {strides = array<i32>} : memref<2048xi32, #tpu.memory_space<vmem>>, vector<16xi32>,
      %get3A_100 = arith.index_cast %add3A_97 : i32 to index
      %get3A_101 = tpu.vector_load %arg9[%get3A_100] {strides = array<i32>} : memref<2048xi32, #tpu.memory_space<vmem>>, vector<16xi32>,
      %iota3A_102 = tpu.iota {dimensions = array<i32: 0>} : vector<16xi32>
      %lt3A = arith.constant 2 : i32
      %lt3A_103 = vector.broadcast %lt3A : i32 to vector<16xi32>
      %lt3A_104 = arith.cmpi slt, %iota3A_102, %lt3A_103 : vector<16xi32>
      %add3A_105 = arith.constant 48 : i32
      %add3A_106 = vector.broadcast %add3A_105 : i32 to vector<16xi32>
      %add3A_107 = arith.addi %iota3A_102, %add3A_106 : vector<16xi32>
      %min3A = arith.constant 49 : i32
      %min3A_108 = vector.broadcast %min3A : i32 to vector<16xi32>
      %min3A_109 = arith.minsi %add3A_107, %min3A_108 : vector<16xi32>
      %gather3A_110 = tpu.vector_load_idx %arg11[%min3A_109, %get3A_101] : memref<50x1000xf32, #tpu.memory_space<vmem>>[vector<16xi32>, vector<16xi32>], vector<16xf32>,
      %gather3A_111 = tpu.vector_load_idx %arg10[%get3A_99] : memref<1000xf32, #tpu.memory_space<vmem>>[vector<16xi32>], vector<16xf32>,
      %sub3A_112 = arith.subf %gather3A_111, %gather3A_110 : vector<16xf32>
      %broadcast_in_dim3A_113 = arith.constant 0.000000e+00 : f32
      %broadcast_in_dim3A_114 = vector.broadcast %broadcast_in_dim3A_113 : f32 to vector<16xf32>
      %select_n3A = arith.select %lt3A_104, %sub3A_112, %broadcast_in_dim3A_114 : vector<16xi1>, vector<16xf32>
      %add3A_115 = arith.addf %add3A_93, %select_n3A : vector<16xf32>
      %add3A_116 = arith.addi %mul3A_2, %add3A_33 : i32
      %dma_start3A_117 = arith.constant 0 : i32
      %dma_start3A_118 = arith.constant 0 : i32
      %dma_start3A_119 = tpu.memref_slice %arg6[%add3A_116, %dma_start3A_117, %dma_start3A_118] : memref<1024x50x1000xf32, #tpu.memory_space<hbm>> -> memref<1x50x1000xf32, #tpu.memory_space<hbm>>
      %dma_start3A_120 = tpu.memref_squeeze %dma_start3A_119 : memref<1x50x1000xf32, #tpu.memory_space<hbm>> -> memref<50x1000xf32, #tpu.memory_space<hbm>>
      %dma_start3A_121 = arith.constant 0 : i32
      %dma_start3A_122 = arith.constant 0 : i32
      %dma_start3A_123 = tpu.memref_slice %arg6[%add3A_116, %dma_start3A_121, %dma_start3A_122] : memref<1024x50x1000xf32, #tpu.memory_space<hbm>> -> memref<1x50x1000xf32, #tpu.memory_space<hbm>>
      %dma_start3A_124 = tpu.memref_squeeze %dma_start3A_123 : memref<1x50x1000xf32, #tpu.memory_space<hbm>> -> memref<50x1000xf32, #tpu.memory_space<hbm>>
      tpu.enqueue_dma source(%arg11 : memref<50x1000xf32, #tpu.memory_space<vmem>>) target(%dma_start3A_124 : memref<50x1000xf32, #tpu.memory_space<hbm>>) target_semaphore(%arg16 : memref<!tpu.dma_semaphore, #tpu.memory_space<semaphore_mem>>)
      %mul3A_125 = arith.constant 2 : i32
      %mul3A_126 = arith.muli %mul3A_125, %scan3A_28 : i32
      %add3A_127 = arith.constant 1 : i32
      %add3A_128 = arith.addi %mul3A_126, %add3A_127 : i32
      %dma_wait3A_129 = arith.constant 0 : i32
      %dma_wait3A_130 = arith.constant 0 : i32
      %dma_wait3A_131 = arith.constant 0 : i32
      %dma_wait3A_132 = tpu.memref_slice %arg6[%dma_wait3A_129, %dma_wait3A_130, %dma_wait3A_131] : memref<1024x50x1000xf32, #tpu.memory_space<hbm>> -> memref<1x50x1000xf32, #tpu.memory_space<hbm>>
      %dma_wait3A_133 = tpu.memref_squeeze %dma_wait3A_132 : memref<1x50x1000xf32, #tpu.memory_space<hbm>> -> memref<50x1000xf32, #tpu.memory_space<hbm>>
      %dma_wait3A_134 = arith.constant 0 : i32
      %dma_wait3A_135 = arith.constant 0 : i32
      %dma_wait3A_136 = tpu.memref_slice %arg6[%dma_wait3A_129, %dma_wait3A_134, %dma_wait3A_135] : memref<1024x50x1000xf32, #tpu.memory_space<hbm>> -> memref<1x50x1000xf32, #tpu.memory_space<hbm>>
      %dma_wait3A_137 = tpu.memref_squeeze %dma_wait3A_136 : memref<1x50x1000xf32, #tpu.memory_space<hbm>> -> memref<50x1000xf32, #tpu.memory_space<hbm>>
      tpu.wait_dma2 semaphore(%arg16 : memref<!tpu.dma_semaphore, #tpu.memory_space<semaphore_mem>>) src(%arg11 : memref<50x1000xf32, #tpu.memory_space<vmem>>) dst(%dma_wait3A_137 : memref<50x1000xf32, #tpu.memory_space<hbm>>)
      %le3A = arith.constant 14 : i32
      %le3A_138 = arith.cmpi sle, %scan3A_28, %le3A : i32
      %convert_element_type3A_139 = arith.extui %le3A_138 : i1 to i32
      %cond3A_140 = arith.constant 0 : i32
      %cond3A_141 = arith.cmpi ne, %convert_element_type3A_139, %cond3A_140 : i32
      scf.if %cond3A_141 {
        %add3A_230 = arith.constant 1 : i32
        %add3A_231 = arith.addi %add3A_128, %add3A_230 : i32
        %mul3A_232 = arith.constant 64 : i32
        %mul3A_233 = arith.muli %add3A_231, %mul3A_232 : i32
        %dma_start3A_234 = tpu.memref_slice %arg8[%mul3A_233] : memref<2048xi32, #tpu.memory_space<vmem>> -> memref<50xi32, #tpu.memory_space<vmem>>
        %dma_start3A_235 = arith.constant 0 : i32
        %dma_start3A_236 = arith.constant 0 : i32
        %dma_start3A_237 = tpu.memref_slice %arg5[%dma_start3A_235, %dma_start3A_236] : memref<1000x1000xf32, #tpu.memory_space<hbm>> -> memref<1000x1000xf32, #tpu.memory_space<hbm>>
        tpu.enqueue_indirect_dma source(%dma_start3A_237 : memref<1000x1000xf32, #tpu.memory_space<hbm>>) target(%arg11 : memref<50x1000xf32, #tpu.memory_space<vmem>>) offsets(%dma_start3A_234 : memref<50xi32, #tpu.memory_space<vmem>>) semaphore(%arg14 : memref<!tpu.dma_semaphore, #tpu.memory_space<semaphore_mem>>)
      } else {
      }
      %dma_wait3A_142 = arith.constant 0 : i32
      %dma_wait3A_143 = arith.constant 0 : i32
      %dma_wait3A_144 = tpu.memref_slice %arg5[%dma_wait3A_142, %dma_wait3A_143] : memref<1000x1000xf32, #tpu.memory_space<hbm>> -> memref<50x1000xf32, #tpu.memory_space<hbm>>
      %dma_wait3A_145 = arith.constant 0 : i32
      %dma_wait3A_146 = arith.constant 0 : i32
      %dma_wait3A_147 = tpu.memref_slice %arg5[%dma_wait3A_145, %dma_wait3A_146] : memref<1000x1000xf32, #tpu.memory_space<hbm>> -> memref<50x1000xf32, #tpu.memory_space<hbm>>
      tpu.wait_dma2 semaphore(%arg15 : memref<!tpu.dma_semaphore, #tpu.memory_space<semaphore_mem>>) src(%dma_wait3A_147 : memref<50x1000xf32, #tpu.memory_space<hbm>>) dst(%arg12 : memref<50x1000xf32, #tpu.memory_space<vmem>>)
      %mul3A_148 = arith.constant 64 : i32
      %mul3A_149 = arith.muli %add3A_128, %mul3A_148 : i32
      %add3A_150 = arith.constant 0 : i32
      %add3A_151 = arith.addi %mul3A_149, %add3A_150 : i32
      %get3A_152 = arith.index_cast %add3A_151 : i32 to index
      %get3A_153 = tpu.vector_load %arg8[%get3A_152] {strides = array<i32>} : memref<2048xi32, #tpu.memory_space<vmem>>, vector<16xi32>,
      %get3A_154 = arith.index_cast %add3A_151 : i32 to index
      %get3A_155 = tpu.vector_load %arg9[%get3A_154] {strides = array<i32>} : memref<2048xi32, #tpu.memory_space<vmem>>, vector<16xi32>,
      %iota3A_156 = tpu.iota {dimensions = array<i32: 0>} : vector<16xi32>
      %add3A_157 = arith.constant 0 : i32
      %add3A_158 = vector.broadcast %add3A_157 : i32 to vector<16xi32>
      %add3A_159 = arith.addi %iota3A_156, %add3A_158 : vector<16xi32>
      %gather3A_160 = tpu.vector_load_idx %arg12[%add3A_159, %get3A_155] : memref<50x1000xf32, #tpu.memory_space<vmem>>[vector<16xi32>, vector<16xi32>], vector<16xf32>,
      %gather3A_161 = tpu.vector_load_idx %arg10[%get3A_153] : memref<1000xf32, #tpu.memory_space<vmem>>[vector<16xi32>], vector<16xf32>,
      %sub3A_162 = arith.subf %gather3A_161, %gather3A_160 : vector<16xf32>
      %add3A_163 = arith.addf %add3A_115, %sub3A_162 : vector<16xf32>
      %mul3A_164 = arith.constant 64 : i32
      %mul3A_165 = arith.muli %add3A_128, %mul3A_164 : i32
      %add3A_166 = arith.constant 16 : i32
      %add3A_167 = arith.addi %mul3A_165, %add3A_166 : i32
      %get3A_168 = arith.index_cast %add3A_167 : i32 to index
      %get3A_169 = tpu.vector_load %arg8[%get3A_168] {strides = array<i32>} : memref<2048xi32, #tpu.memory_space<vmem>>, vector<16xi32>,
      %get3A_170 = arith.index_cast %add3A_167 : i32 to index
      %get3A_171 = tpu.vector_load %arg9[%get3A_170] {strides = array<i32>} : memref<2048xi32, #tpu.memory_space<vmem>>, vector<16xi32>,
      %iota3A_172 = tpu.iota {dimensions = array<i32: 0>} : vector<16xi32>
      %add3A_173 = arith.constant 16 : i32
      %add3A_174 = vector.broadcast %add3A_173 : i32 to vector<16xi32>
      %add3A_175 = arith.addi %iota3A_172, %add3A_174 : vector<16xi32>
      %gather3A_176 = tpu.vector_load_idx %arg12[%add3A_175, %get3A_171] : memref<50x1000xf32, #tpu.memory_space<vmem>>[vector<16xi32>, vector<16xi32>], vector<16xf32>,
      %gather3A_177 = tpu.vector_load_idx %arg10[%get3A_169] : memref<1000xf32, #tpu.memory_space<vmem>>[vector<16xi32>], vector<16xf32>,
      %sub3A_178 = arith.subf %gather3A_177, %gather3A_176 : vector<16xf32>
      %add3A_179 = arith.addf %add3A_163, %sub3A_178 : vector<16xf32>
      %mul3A_180 = arith.constant 64 : i32
      %mul3A_181 = arith.muli %add3A_128, %mul3A_180 : i32
      %add3A_182 = arith.constant 32 : i32
      %add3A_183 = arith.addi %mul3A_181, %add3A_182 : i32
      %get3A_184 = arith.index_cast %add3A_183 : i32 to index
      %get3A_185 = tpu.vector_load %arg8[%get3A_184] {strides = array<i32>} : memref<2048xi32, #tpu.memory_space<vmem>>, vector<16xi32>,
      %get3A_186 = arith.index_cast %add3A_183 : i32 to index
      %get3A_187 = tpu.vector_load %arg9[%get3A_186] {strides = array<i32>} : memref<2048xi32, #tpu.memory_space<vmem>>, vector<16xi32>,
      %iota3A_188 = tpu.iota {dimensions = array<i32: 0>} : vector<16xi32>
      %add3A_189 = arith.constant 32 : i32
      %add3A_190 = vector.broadcast %add3A_189 : i32 to vector<16xi32>
      %add3A_191 = arith.addi %iota3A_188, %add3A_190 : vector<16xi32>
      %gather3A_192 = tpu.vector_load_idx %arg12[%add3A_191, %get3A_187] : memref<50x1000xf32, #tpu.memory_space<vmem>>[vector<16xi32>, vector<16xi32>], vector<16xf32>,
      %gather3A_193 = tpu.vector_load_idx %arg10[%get3A_185] : memref<1000xf32, #tpu.memory_space<vmem>>[vector<16xi32>], vector<16xf32>,
      %sub3A_194 = arith.subf %gather3A_193, %gather3A_192 : vector<16xf32>
      %add3A_195 = arith.addf %add3A_179, %sub3A_194 : vector<16xf32>
      %mul3A_196 = arith.constant 64 : i32
      %mul3A_197 = arith.muli %add3A_128, %mul3A_196 : i32
      %add3A_198 = arith.constant 48 : i32
      %add3A_199 = arith.addi %mul3A_197, %add3A_198 : i32
      %get3A_200 = arith.index_cast %add3A_199 : i32 to index
      %get3A_201 = tpu.vector_load %arg8[%get3A_200] {strides = array<i32>} : memref<2048xi32, #tpu.memory_space<vmem>>, vector<16xi32>,
      %get3A_202 = arith.index_cast %add3A_199 : i32 to index
      %get3A_203 = tpu.vector_load %arg9[%get3A_202] {strides = array<i32>} : memref<2048xi32, #tpu.memory_space<vmem>>, vector<16xi32>,
      %iota3A_204 = tpu.iota {dimensions = array<i32: 0>} : vector<16xi32>
      %lt3A_205 = arith.constant 2 : i32
      %lt3A_206 = vector.broadcast %lt3A_205 : i32 to vector<16xi32>
      %lt3A_207 = arith.cmpi slt, %iota3A_204, %lt3A_206 : vector<16xi32>
      %add3A_208 = arith.constant 48 : i32
      %add3A_209 = vector.broadcast %add3A_208 : i32 to vector<16xi32>
      %add3A_210 = arith.addi %iota3A_204, %add3A_209 : vector<16xi32>
      %min3A_211 = arith.constant 49 : i32
      %min3A_212 = vector.broadcast %min3A_211 : i32 to vector<16xi32>
      %min3A_213 = arith.minsi %add3A_210, %min3A_212 : vector<16xi32>
      %gather3A_214 = tpu.vector_load_idx %arg12[%min3A_213, %get3A_203] : memref<50x1000xf32, #tpu.memory_space<vmem>>[vector<16xi32>, vector<16xi32>], vector<16xf32>,
      %gather3A_215 = tpu.vector_load_idx %arg10[%get3A_201] : memref<1000xf32, #tpu.memory_space<vmem>>[vector<16xi32>], vector<16xf32>,
      %sub3A_216 = arith.subf %gather3A_215, %gather3A_214 : vector<16xf32>
      %broadcast_in_dim3A_217 = arith.constant 0.000000e+00 : f32
      %broadcast_in_dim3A_218 = vector.broadcast %broadcast_in_dim3A_217 : f32 to vector<16xf32>
      %select_n3A_219 = arith.select %lt3A_207, %sub3A_216, %broadcast_in_dim3A_218 : vector<16xi1>, vector<16xf32>
      %add3A_220 = arith.addf %add3A_195, %select_n3A_219 : vector<16xf32>
      %add3A_221 = arith.addi %mul3A_2, %add3A_128 : i32
      %dma_start3A_222 = arith.constant 0 : i32
      %dma_start3A_223 = arith.constant 0 : i32
      %dma_start3A_224 = tpu.memref_slice %arg6[%add3A_221, %dma_start3A_222, %dma_start3A_223] : memref<1024x50x1000xf32, #tpu.memory_space<hbm>> -> memref<1x50x1000xf32, #tpu.memory_space<hbm>>
      %dma_start3A_225 = tpu.memref_squeeze %dma_start3A_224 : memref<1x50x1000xf32, #tpu.memory_space<hbm>> -> memref<50x1000xf32, #tpu.memory_space<hbm>>
      %dma_start3A_226 = arith.constant 0 : i32
      %dma_start3A_227 = arith.constant 0 : i32
      %dma_start3A_228 = tpu.memref_slice %arg6[%add3A_221, %dma_start3A_226, %dma_start3A_227] : memref<1024x50x1000xf32, #tpu.memory_space<hbm>> -> memref<1x50x1000xf32, #tpu.memory_space<hbm>>
      %dma_start3A_229 = tpu.memref_squeeze %dma_start3A_228 : memref<1x50x1000xf32, #tpu.memory_space<hbm>> -> memref<50x1000xf32, #tpu.memory_space<hbm>>
      tpu.enqueue_dma source(%arg12 : memref<50x1000xf32, #tpu.memory_space<vmem>>) target(%dma_start3A_229 : memref<50x1000xf32, #tpu.memory_space<hbm>>) target_semaphore(%arg17 : memref<!tpu.dma_semaphore, #tpu.memory_space<semaphore_mem>>)
      scf.yield %add3A_220 : vector<16xf32>
    }
    %scan3A_16 = arith.constant 16 : i32
    %dma_wait3A = arith.constant 0 : i32
    %dma_wait3A_17 = arith.constant 0 : i32
    %dma_wait3A_18 = arith.constant 0 : i32
    %dma_wait3A_19 = tpu.memref_slice %arg6[%dma_wait3A, %dma_wait3A_17, %dma_wait3A_18] : memref<1024x50x1000xf32, #tpu.memory_space<hbm>> -> memref<1x50x1000xf32, #tpu.memory_space<hbm>>
    %dma_wait3A_20 = tpu.memref_squeeze %dma_wait3A_19 : memref<1x50x1000xf32, #tpu.memory_space<hbm>> -> memref<50x1000xf32, #tpu.memory_space<hbm>>
    %dma_wait3A_21 = arith.constant 0 : i32
    %dma_wait3A_22 = arith.constant 0 : i32
    %dma_wait3A_23 = tpu.memref_slice %arg6[%dma_wait3A, %dma_wait3A_21, %dma_wait3A_22] : memref<1024x50x1000xf32, #tpu.memory_space<hbm>> -> memref<1x50x1000xf32, #tpu.memory_space<hbm>>
    %dma_wait3A_24 = tpu.memref_squeeze %dma_wait3A_23 : memref<1x50x1000xf32, #tpu.memory_space<hbm>> -> memref<50x1000xf32, #tpu.memory_space<hbm>>
    tpu.wait_dma2 semaphore(%arg17 : memref<!tpu.dma_semaphore, #tpu.memory_space<semaphore_mem>>) src(%arg12 : memref<50x1000xf32, #tpu.memory_space<vmem>>) dst(%dma_wait3A_24 : memref<50x1000xf32, #tpu.memory_space<hbm>>)
    %swap3A = arith.constant 0 : index
    %swap3A_25 = tpu.vector_load %arg13[%swap3A] {strides = array<i32>} : memref<16xf32, #tpu.memory_space<vmem>>, vector<16xf32>,
    tpu.vector_store %arg13[%swap3A], %scan3A_15 {strides = array<i32>} : memref<16xf32, #tpu.memory_space<vmem>>, vector<16xf32>,
    %mul3A_26 = arith.constant 16 : i32
    %mul3A_27 = arith.muli %add3A, %mul3A_26 : i32
    "tpu.region"() ({
      %run_scoped3A = tpu.sem_alloc : memref<!tpu.dma_semaphore, #tpu.memory_space<semaphore_mem>>
      %dma_start3A_28 = tpu.memref_slice %arg7[%mul3A_27] : memref<512xf32, #tpu.memory_space<hbm>> -> memref<16xf32, #tpu.memory_space<hbm>>
      %dma_start3A_29 = tpu.memref_slice %arg7[%mul3A_27] : memref<512xf32, #tpu.memory_space<hbm>> -> memref<16xf32, #tpu.memory_space<hbm>>
      tpu.enqueue_dma source(%arg13 : memref<16xf32, #tpu.memory_space<vmem>>) target(%dma_start3A_29 : memref<16xf32, #tpu.memory_space<hbm>>) target_semaphore(%run_scoped3A : memref<!tpu.dma_semaphore, #tpu.memory_space<semaphore_mem>>)
      %dma_wait3A_30 = tpu.memref_slice %arg7[%mul3A_27] : memref<512xf32, #tpu.memory_space<hbm>> -> memref<16xf32, #tpu.memory_space<hbm>>
      %dma_wait3A_31 = tpu.memref_slice %arg7[%mul3A_27] : memref<512xf32, #tpu.memory_space<hbm>> -> memref<16xf32, #tpu.memory_space<hbm>>
      tpu.wait_dma2 semaphore(%run_scoped3A : memref<!tpu.dma_semaphore, #tpu.memory_space<semaphore_mem>>) src(%arg13 : memref<16xf32, #tpu.memory_space<vmem>>) dst(%dma_wait3A_31 : memref<16xf32, #tpu.memory_space<hbm>>)
      tpu.yield
    }) : () -> ()
    return
  }
}

module attributes {stable_mosaic.version = 14 : i64} {
  func.func @_lse_body(%arg0: memref<1000x1000xf32, #tpu.memory_space<vmem>>, %arg1: memref<1000xf32, #tpu.memory_space<vmem>>) attributes {dimension_semantics = [], scalar_prefetch = 0 : i64, scratch_operands = 0 : i64, tpu.core_type = #tpu.core_type<tc>} {
    %get3A = arith.constant 0 : index
    %get3A_0 = arith.constant 0 : index
    %get3A_1 = vector.load %arg0[%get3A, %get3A_0] : memref<1000x1000xf32, #tpu.memory_space<vmem>>, vector<1000x1000xf32>
    %reduce_max3A = arith.constant dense<0xFF800000> : vector<1000xf32>
    %reduce_max3A_2 = vector.multi_reduction <maximumf>, %get3A_1, %reduce_max3A [1] : vector<1000x1000xf32> to vector<1000xf32>
    %broadcast_in_dim3A = vector.shape_cast %reduce_max3A_2 : vector<1000xf32> to vector<1000x1xf32>
    %sub3A = vector.broadcast %broadcast_in_dim3A : vector<1000x1xf32> to vector<1000x1000xf32>
    %sub3A_3 = arith.subf %get3A_1, %sub3A : vector<1000x1000xf32>
    %exp3A = math.exp %sub3A_3 : vector<1000x1000xf32>
    %reduce_sum3A = arith.constant dense<0.000000e+00> : vector<1000xf32>
    %reduce_sum3A_4 = vector.multi_reduction <add>, %exp3A, %reduce_sum3A [1] : vector<1000x1000xf32> to vector<1000xf32>
    %log3A = math.log %reduce_sum3A_4 : vector<1000xf32>
    %add3A = arith.addf %reduce_max3A_2, %log3A : vector<1000xf32>
    %swap3A = arith.constant 0 : index
    %swap3A_5 = vector.load %arg1[%swap3A] : memref<1000xf32, #tpu.memory_space<vmem>>, vector<1000xf32>
    tpu.vector_store %arg1[%swap3A], %add3A {strides = array<i32>} : memref<1000xf32, #tpu.memory_space<vmem>>, vector<1000xf32>,
    return
  }
}

</mosaic_0001>

<sc_bundles>
// kernel: kernel.4.cloned.1.call-start
scs
__scs_entry_jumppad:
0x0: {  	(pc) =	sbr.rel $0x88, $3  }
0x1: {  	(tag) =	ssettag $0x0;
	lr =	simm.s32 $0x1  }
0x2: {  	[smem:$0x3F9E] =	sst lr;
	_ =	strace $0xD0000000  }
0x3: {  	_ = 	snop  }
0x4: {  	_ = 	snop  }
0x5: {  	_ = 	snop  }
0x6: {  	_ = 	snop  }
0x7: {  	_ = 	snop  }
__scs_overlays_trampoline_lowered:
0x8: {  	[smem:$0x3FAD] =	sst s0  }
0x9: {  	[smem:$0x3FAE] =	sst s1  }
0xa: {  	[smem:$0x3FAF] =	sst s2  }
0xb: {  	[smem:$0x3FB0] =	sst s3  }
0xc: {  	[smem:$0x3FB1] =	sst s4  }
0xd: {  	[smem:$0x3FB2] =	sst s5  }
0xe: {  	[smem:$0x3FB3] =	sst s6  }
0xf: {  	[smem:$0x3FB4] =	sst s7  }
0x10: {  	[smem:$0x3FB5] =	sst s8  }
0x11: {  	[smem:$0x3FB6] =	sst s9;
	s0 =	simm.s32 @!p0 $0x0  }
0x12: {  	s1 =	sld [smem:$0x3F9C];
	s0 =	simm.s32 @p0 $0x1  }
0x13: {  	[smem:$0x3FB7] =	sst s0;
	s0 =	simm.s32 @!p1 $0x0  }
0x14: {  	s2 =	sld [smem:$0x3F9B];
	s0 =	simm.s32 @p1 $0x1  }
0x15: {  	[smem:$0x3FB8] =	sst s0;
	s0 =	simm.s32 @!p2 $0x0  }
0x16: {  	s3 =	sld [smem:$0x3FDB];
	s0 =	simm.s32 @p2 $0x1  }
0x17: {  	s4 =	simm.s32 $0x1BF5;
	[smem:$0x3FBA] =	sst s0  }
0x18: {  	s0 =	sld [smem:$0x3F9D];
	_ =	swait.ge [sflag:s4], $0x0  }
0x19: {  	s7 =	sld [smem:$0x3F9E]  }
0x1a: {  	s8 =	sadd.s32 $0xFFFFE003, lr  }
0x1b: {  	s9 =	sadd.s32 $0xFFFFFEF7, lr;
	s5 =	simm.s32 $0xFFFFFFFF;
	p2 =	slt.u32 s8, $0xFFFFF086  }
0x1c: {  	p1 =	slt.u32 s9, $0xF7A;
	s5 =	simm.s32 @!p2 $0x0  }
0x1d: {  	s5 =	simm.s32 @p1 $0x1;
	p0 =	seq.s32 s7, s2  }
0x1e: {  	s7 =	smul.u32 @!p0 $0xF7A, s2;
	p2 =	seq.s32 @!p0 s5, $0x0  }
0x1f: {  	s9 =	smul.u32 $0xF7A, s1;
	s8 =	simm.s32 @!p0 $0x1BF5;
	p2 =	por !p2, p0  }
0x20: {  	[sflag:s8] =	ssyncset.s32 @!p0 $0xFFFFF086;
	s6 =	sadd.s32 @!p0 s3, s7;
	s7 =	simm.s32 @!p0 $0x108  }
0x21: {  	s3 =	sadd.s32 s3, s9;
	s6 =	sadd.s32 @!p0 $0x88, s6;
	s7 =	simm.s32 @p2 $0x1082  }
0x22: {  	[simem:s7], [sflag:s8] =	dma.local @!p0 [hbm:s6], $0xF7A  }
0x23: {  	s9 =	sor.u32 $0xD0000000, s2;
	s6 =	simm.s32 $0x108;
	_ =	swait.ge @!p0 [sflag:s8], $0x0  }
0x24: {  	s3 =	sadd.s32 $0x88, s3;
	s6 =	simm.s32 @!p1 $0x1082;
	[sflag:s4] =	ssyncset.s32 $0xFFFFF086  }
0x25: {  	[simem:s6], [sflag:s4] =	dma.local [hbm:s3], $0xF7A  }
0x26: {  	[smem:$0x3F9E] =	sst s1;
	(tag) =	ssettag s2;
	_ =	strace s9  }
0x27: {  	s1 =	sld [smem:$0x3FAE]  }
0x28: {  	s2 =	sld [smem:$0x3FAF]  }
0x29: {  	s4 =	sld [smem:$0x3FB1]  }
0x2a: {  	p0 =	seq.s32 s5, $0x0;
	s5 =	sld [smem:$0x3FB2]  }
0x2b: {  	s6 =	sld [smem:$0x3FB3]  }
0x2c: {  	s7 =	sld [smem:$0x3FB4]  }
0x2d: {  	s3 =	simm.s32 $0x108;
	s8 =	sld [smem:$0x3FB5]  }
0x2e: {  	s3 =	simm.s32 @!p0 $0x1082;
	s9 =	sld [smem:$0x3FB6]  }
0x2f: {  	lr =	sadd.s32 s0, s3;
	s0 =	sld [smem:$0x3FAD]  }
0x30: {  	s3 =	sld [smem:$0x3FB0]  }
0x31: {  	[smem:$0x3FB9] =	sst s10  }
0x32: {  	s10 =	sld [smem:$0x3FB7];
	_ =	sdelay $0x3  }
0x33: {  	p0 =	seq.s32 s10, $0x1;
	s10 =	sld [smem:$0x3FB9];
	_ =	sdelay $0x3  }
0x34: {  	[smem:$0x3FB9] =	sst s10  }
0x35: {  	s10 =	sld [smem:$0x3FB8];
	_ =	sdelay $0x3  }
0x36: {  	p1 =	seq.s32 s10, $0x1;
	s10 =	sld [smem:$0x3FB9];
	_ =	sdelay $0x3  }
0x37: {  	[smem:$0x3FB9] =	sst s10  }
0x38: {  	s10 =	sld [smem:$0x3FBA]  }
0x39: {  	_ = 	snop;
	(pc) =	sbr.ind lr, $3  }
0x3a: {  	_ = 	snop  }
0x3b: {  	_ = 	snop  }
0x3c: {  	p2 =	seq.s32 s10, $0x1;
	s10 =	sld [smem:$0x3FB9]  }
0x3d: {  	_ =	shalt  }
0x3e: {  	_ =	shalt  }
0x3f: {  	_ =	shalt  }
0x40: {  	_ =	shalt  }
0x41: {  	_ =	shalt  }
0x42: {  	_ =	shalt  }
0x43: {  	_ =	shalt  }
0x44: {  	_ =	shalt  }
0x45: {  	_ =	shalt  }
0x46: {  	_ =	shalt  }
0x47: {  	_ =	shalt  }
0x48: {  	_ =	shalt  }
0x49: {  	_ =	shalt  }
0x4a: {  	_ =	shalt  }
0x4b: {  	_ =	shalt  }
0x4c: {  	_ =	shalt  }
0x4d: {  	_ =	shalt  }
0x4e: {  	_ =	shalt  }
0x4f: {  	_ =	shalt  }
0x50: {  	_ =	shalt  }
0x51: {  	_ =	shalt  }
0x52: {  	_ =	shalt  }
0x53: {  	_ =	shalt  }
0x54: {  	_ =	shalt  }
0x55: {  	_ =	shalt  }
0x56: {  	_ =	shalt  }
0x57: {  	_ =	shalt  }
0x58: {  	_ =	shalt  }
0x59: {  	_ =	shalt  }
0x5a: {  	_ =	shalt  }
0x5b: {  	_ =	shalt  }
0x5c: {  	_ =	shalt  }
0x5d: {  	_ =	shalt  }
0x5e: {  	_ =	shalt  }
0x5f: {  	_ =	shalt  }
0x60: {  	_ =	shalt  }
0x61: {  	_ =	shalt  }
0x62: {  	_ =	shalt  }
0x63: {  	_ =	shalt  }
0x64: {  	_ =	shalt  }
0x65: {  	_ =	shalt  }
0x66: {  	_ =	shalt  }
0x67: {  	_ =	shalt  }
0x68: {  	_ =	shalt  }
0x69: {  	_ =	shalt  }
0x6a: {  	_ =	shalt  }
0x6b: {  	_ =	shalt  }
0x6c: {  	_ =	shalt  }
0x6d: {  	_ =	shalt  }
0x6e: {  	_ =	shalt  }
0x6f: {  	_ =	shalt  }
0x70: {  	_ =	shalt  }
0x71: {  	_ =	shalt  }
0x72: {  	_ =	shalt  }
0x73: {  	_ =	shalt  }
0x74: {  	_ =	shalt  }
0x75: {  	_ =	shalt  }
0x76: {  	_ =	shalt  }
0x77: {  	_ =	shalt  }
0x78: {  	_ =	shalt  }
0x79: {  	_ =	shalt  }
0x7a: {  	_ =	shalt  }
0x7b: {  	_ =	shalt  }
0x7c: {  	_ =	shalt  }
0x7d: {  	_ =	shalt  }
0x7e: {  	_ =	shalt  }
0x7f: {  	_ =	shalt  }
0x80: {  	_ =	shalt  }
0x81: {  	_ =	shalt  }
0x82: {  	_ =	shalt  }
0x83: {  	_ =	shalt  }
0x84: {  	_ =	shalt  }
0x85: {  	_ =	shalt  }
0x86: {  	_ =	shalt  }
0x87: {  	_ =	shalt  }
.Lfunc_end0:
.L_simem_size_0:
called_computation.1_lowered:
.L_overlay_start_0:
0x88: {  	s2 =	sld [smem:$0x3FD9]  }
0x89: {  	s3 =	sld [smem:$0x3FFE];
	_ =	sdelay $0x1  }
0x8a: {  	s1 =	srdreg.scid  }
0x8b: {  	s0 =	sand.u32 $0x1, s1  }
0x8c: {  	s14 =	sshll.u32 s0, $0xA;
	s2 =	sadd.s32 s3, s2  }
0x8d: {  	s2 =	sadd.s32 s2, s14  }
0x8e: {  	[smem:$0x3FC5] =	sst s2  }
0x8f: {  	_ = 	snop  }
0x90: {  	s2 =	sld [smem:$0x3FD0];
	_ =	sdelay $0x2  }
0x91: {  	s15 =	simm.s32 $0xA;
	s4 =	simm.s32 $0x10  }
0x92: {  	[smem:s4], [sflag:s15] =	dma.local [hbm:s2], $0x1  }
0x93: {  	_ =	swait.eq [sflag:s15], $0x1  }
0x94: {  	[sflag:s15] =	ssyncset.done $0x0  }
0x95: {  	[sflag:s15] =	ssyncadd.s32 $0xFFFFFFFF  }
0x96: {  	s16 =	sld [smem:$0x10];
	(tm) =	ssettm $0x1  }
0x97: {  	s17 =	sld [smem:$0x3FFB];
	_ =	sdelay $0x3  }
0x98: {  	_ =	strace s17  }
0x99: {  	s3 =	sld [smem:$0x3FFC];
	_ =	sdelay $0x3  }
0x9a: {  	_ =	strace s3  }
0x9b: {  	s3 =	sld [smem:$0x3FFD];
	_ =	sdelay $0x3  }
0x9c: {  	_ =	strace s3  }
0x9d: {  	_ =	strace $0x8FFFFFFF  }
0x9e: {  	s18 =	sld [smem:$0x3FDB];
	_ =	sdelay $0x1  }
0x9f: {  	s19 =	simm.s32 $_scs_section_size  }
0xa0: {  	s5 =	simm.s32 $_size__tile_overlayer_lowered;
	s6 =	simm.s32 $_tile_overlayer_lowered  }
0xa1: {  	s22 =	simm.s32 $0x1BFF;
	s21 =	sshll.u32 s6, $0x1;
	s3 =	sadd.s32 s19, s18  }
0xa2: {  	s7 =	simm.s32 $0x0;
	s20 =	sshll.u32 s5, $0x1;
	s5 =	sadd.s32 s21, s3  }
0xa3: {  	[timem:s7], [sflag:s22] =	dma.local [hbm:s5], s20  }
0xa4: {  	_ =	swait.ge [sflag:s22], s20  }
0xa5: {  	s4 =	ssub.s32 $0x0, s20;
	[sflag:s22] =	ssyncset.done $0x0  }
0xa6: {  	[sflag:s22] =	ssyncadd.s32 s4;
	_ =	sdelay $0x1  }
0xa7: {  	s23 =	simm.s32 $0x1B8B  }
0xa8: {  	_ =	swait.ge [sflag:s23], $0x1  }
0xa9: {  	[sflag:s23] =	ssyncset.done $0x0  }
0xaa: {  	s25 =	simm.s32 $0x1B8E;
	s24 =	sld [smem:$0x3FFE];
	[sflag:s23] =	ssyncadd.s32 $0xFFFFFFFF  }
0xab: {  	s26 =	simm.s32 $execute0_lowered;
	[smem:$0x3FD2] =	sst s25  }
0xac: {  	s5 =	sshll.u32 s26, $0x1;
	_ =	strace $0x80000046;
	[dreg:$0x1] =	wrdreg $0xFFFFFFFF  }
0xad: {  	s28 =	simm.s32 $_size_execute0_lowered;
	s3 =	sadd.s32 s3, s5;
	[dreg:$0x0] =	wrdreg $0x0  }
0xae: {  	s5 =	sshll.u32 s28, $0x1;
	[dreg:$0x2] =	wrdreg s3  }
0xaf: {  	[dreg:$0x3] =	wrdreg s5  }
0xb0: {  	[dreg:$0x4] =	wrdreg $0xC0  }
0xb1: {  	_ =	task [dreg:s7], $0x5FFFF  }
0xb2: {  	[dreg:$0x1] =	wrdreg $0xFFFFFFFF  }
0xb3: {  	[dreg:$0x0] =	wrdreg $0x60  }
0xb4: {  	[dreg:$0x2] =	wrdreg s24  }
0xb5: {  	[dreg:$0x3] =	wrdreg s16  }
0xb6: {  	[dreg:$0x4] =	wrdreg $0x9  }
0xb7: {  	_ =	task.clear_ibuf [dreg:s7], $0x5FFFF;
	_ =	strace $0x90000046  }
0xb8: {  	s29 =	simm.s32 $0x9;
	_ =	strace $0x80000048  }
0xb9: {  	_ =	swait.ge [sflag:s29], $0x1  }
0xba: {  	[sflag:s29] =	ssyncadd.s32 $0xFFFFFFFF  }
0xbb: {  	_ =	strace $0x90000048  }
0xbc: {  	_ =	sfence  }
0xbd: {  	s30 =	sld [smem:$0x0];
	_ =	sdelay $0x2  }
0xbe: {  	s31 =	sshll.u32 s1, $0xD;
	s1 =	sshrl.u32 s1, $0x2  }
0xbf: {  	s3 =	sand.u32 $0x4000, s31;
	s1 =	sadd.s32 s1, s30  }
0xc0: {  	s0 =	sor.u32 s3, s0;
	s1 =	sshll.u32 s1, $0x11  }
0xc1: {  	s0 =	sor.u32 s1, s0  }
0xc2: {  	s0 =	sadd.s32 $0x8F2B, s0  }
0xc3: {  	[sflag:s0] =	ssyncadd.remote.s32 $0x1  }
0xc4: {  	_ =	sfence.sel $0xFFFF  }
0xc5: {  	[dreg:$0x0] =	wrdreg $0xFFFFFFFF;
	(pc) =	sbr.abs _section_cstart, $3  }
0xc6: {  	[dreg:$0x1] =	wrdreg $0xFFFFFFFF  }
0xc7: {  	_ =	task.clear_ibuf [dreg:s7], $0x2FFFF;
	_ =	strace $0x9FFFFFFF  }
0xc8: {  	(tm) =	ssettm $0x7FFFFFFF  }
0xc9: {  	_ =	shalt  }
tec
execute0_lowered:
.L_overlay_start_1:
0x0: {  	(tag) =	ssettag $0x1  }
0x1: {  	s5 =	rddreg [dreg:$0x0];
	s1 =	srdreg.scid  }
0x2: {  	s0 =	stileid.u32;
	s6 =	rddreg [dreg:$0x1];
	s2 =	simm.s32 $0x0  }
0x3: {  	s13 =	simm.s32 $0x32;
	s14 =	simm.s32 $0x13E8;
	s15 =	simm.s32 $0xD738  }
0x4: {  	s16 =	simm.s32 $0x1;
	s17 =	simm.s32 $0x3;
	s18 =	simm.s32 $0x2  }
0x5: {  	s19 =	simm.s32 $0x4;
	s20 =	simm.s32 $0x19A88;
	s21 =	simm.s32 $0x0  }
0x6: {  	s7 =	sand.u32 $0x1, s1;
	s3 =	sshll.u32 s0, $0x1;
	s1 =	rddreg [dreg:$0x2]  }
0x7: {  	[smem:$0x7FF] =	sst s2;
	s4 =	sadd.s32 $0x1000, s5;
	s11 =	smul.u32 $0x61A80, s0  }
0x8: {  	s8 =	sor.u32 s7, s3;
	_ =	strace $0x80000047;
	s10 =	ssub.s32 $0x2, s7  }
0x9: {  	s7 =	smul.u32 $0x30D40, s7;
	s3 =	sshll.u32 s8, $0x8;
	s8 =	sshll.u32 s8, $0x1  }
0xa: {  	s12 =	sshrl.u32 s10, $0x1;
	s11 =	sadd.s32 s11, s6;
	s9 =	sadd.s32 s3, s5  }
0xb: {  	v0 =	vlaneseq.u32;
	s3 =	sadd.s32 $0xE00, s5;
	s8 =	sadd.s32 s8, s5;
	s10 =	ssub.s32 s10, s12  }
0xc: {  	v3 =	vimm.s32 $0xBF68;
	vm0 =	vcmask $0x300;
	v0 =	vmul.u32 $0x3E8, v0;
	s31 =	sadd.s32 s7, s11;
	s11 =	simm.s32 $0x800;
	s12 =	simm.s32 $0x1000  }
0xd: {  	v3 =	vsel vm0, $0xBB80, v3;
	s5 =	sadd.s32 $0x1FA00, s9;
	s6 =	sadd.s32 $0x21A00, s9;
	s7 =	sadd.s32 $0x23A00, s8  }
0xe: {  	vm0 =	vmmov $0x3;
	v1 =	vadd.s32 $0x3E80, v0;
	v2 =	vadd.s32 $0x7D00, v0;
	s8 =	smax.u32 s10, $0x1;
	s9 =	sadd.s32 $0x186A, s31;
	s10 =	simm.s32 $0x5  }
.LBB2_1:
0xf: {  	[tilespmem:s2], [sflag:$0x5] =	stream.linear.gather [hbm4b:s5+s2], $0x800, $0x38;
	[tilespmem:$0x19A98] =	vst v63  }
0x10: {  	_ =	swait.ge [sflag:s10], $0x800  }
0x11: {  	[sflag:s10] =	ssyncset.done $0x0  }
0x12: {  	[sflag:s10] =	ssyncadd.s32 $0xFFFFF800  }
0x13: {  	[tilespmem:s11], [sflag:$0x5] =	stream.linear.gather [hbm4b:s6+s2], $0x800, $0x38;
	[tilespmem:$0x19A98] =	vst v63  }
0x14: {  	_ =	swait.ge [sflag:s10], $0x800  }
0x15: {  	[sflag:s10] =	ssyncset.done $0x0  }
0x16: {  	[sflag:s10] =	ssyncadd.s32 $0xFFFFF800  }
0x17: {  	[tilespmem:s12], [sflag:$0x5] =	stream.linear.gather [hbm4b:s3+s2], $0x3E8, $0x38;
	[tilespmem:$0x19A98] =	vst v63  }
0x18: {  	p0 =	por $0x1, $0x1;
	_ =	swait.ge [sflag:s10], $0x3E8  }
0x19: {  	p0 =	por p0, p0;
	[sflag:s10] =	ssyncset.done $0x0  }
0x1a: {  	s22 =	simm.s32 @!p0 $0x4;
	[sflag:s10] =	ssyncadd.s32 $0xFFFFFC18  }
0x1b: {  	[tilespmem:s14], [sflag:$0x1] =	stream.indirect.gather [hbm4b:s4+s13], $0x3E8, s2, s13, $0xb8;
	[tilespmem:$0x19A98] =	vst v63  }
0x1c: {  	_ =	swait.ge @!p0 [sflag:s22], $0xC350  }
0x1d: {  	[sflag:s22] =	ssyncset.done @!p0 $0x0  }
0x1e: {  	s30 =	simm.s32 $0x40;
	[sflag:s22] =	ssyncadd.s32 @!p0 $0xFFFF3CB0  }
0x1f: {  	[tilespmem:s15], [sflag:$0x2] =	stream.indirect.gather [hbm4b:s4+s13], $0x3E8, s30, s13, $0xb8;
	[tilespmem:$0x19A98] =	vst v63  }
0x20: {  	_ =	swait.ge [sflag:s16], $0xC350  }
0x21: {  	[sflag:s16] =	ssyncset.done $0x0  }
0x22: {  	s31 =	simm.s32 $0x0;
	[sflag:s16] =	ssyncadd.s32 $0xFFFF3CB0  }
0x23: {  	v4 =	vld [tilespmem:s31+$0x20]  }
0x24: {  	v5 =	vld [tilespmem:s31+$0x830]  }
0x25: {  	v6 =	vld [tilespmem:s31+$0x820]  }
0x26: {  	v9 =	vld [tilespmem:s31+$0x10]  }
0x27: {  	v10 =	vld [tilespmem:s31+$0x0]  }
0x28: {  	v11 =	vld [tilespmem:s31+$0x30]  }
0x29: {  	v8 =	vld [tilespmem:s31+$0x810]  }
0x2a: {  	v7 =	vld [tilespmem:s31+$0x800];
	_ =	sdelay $0x1  }
0x2b: {  	v5 =	vadd.s32 v3, v5  }
0x2c: {  	v6 =	vadd.s32 v2, v6;
	v4 =	vld.idx.msk [tilespmem:v4+s12+$0x0], $0xffff  }
0x2d: {  	v8 =	vadd.s32 v1, v8;
	v9 =	vld.idx.msk [tilespmem:v9+s12+$0x0], $0xffff  }
0x2e: {  	v7 =	vadd.s32 v0, v7;
	v10 =	vld.idx.msk [tilespmem:v10+s12+$0x0], $0xffff  }
0x2f: {  	v12 =	vld.idx.msk [tilespmem:v11+s12+$0x0], $0xffff  }
0x30: {  	v5 =	vld.idx.msk [tilespmem:v5+s14+$0x0], $0xffff  }
0x31: {  	v6 =	vld.idx.msk [tilespmem:v6+s14+$0x0], $0xffff  }
0x32: {  	s23 =	sadd.s32 $0xFFFFE796, s9;
	v8 =	vld.idx.msk [tilespmem:v8+s14+$0x0], $0xffff  }
0x33: {  	v7 =	vld.idx.msk [tilespmem:v7+s14+$0x0], $0xffff;
	[hbm4b:s23+s2] =	stream.linear.scatter [tilespmem:s14], [sflag:$0x3], $0xC350, $0x38  }
0x34: {  	p0 =	por $0x0, $0x0;
	_ =	swait.ge [sflag:s17], $0xC350  }
0x35: {  	s24 =	simm.s32 @!p0 $0x80;
	[sflag:s17] =	ssyncset.done $0x0  }
0x36: {  	s25 =	simm.s32 @!p0 $0x32;
	s23 =	simm.s32 @!p0 $0x13E8;
	[sflag:s17] =	ssyncadd.s32 $0xFFFF3CB0  }
0x37: {  	[tilespmem:s23], [sflag:$0x1] =	stream.indirect.gather @!p0 [hbm4b:s4+s25], $0x3E8, s24, s25, $0xb8;
	[tilespmem:$0x19A98] =	vst v63  }
0x38: {  	_ =	swait.ge [sflag:s18], $0xC350  }
0x39: {  	[sflag:s18] =	ssyncset.done $0x0  }
0x3a: {  	[sflag:s18] =	ssyncadd.s32 $0xFFFF3CB0  }
0x3b: {  	v11 =	vld [tilespmem:s31+$0x840]  }
0x3c: {  	v13 =	vld [tilespmem:s31+$0x40]  }
0x3d: {  	v14 =	vld [tilespmem:s31+$0x850]  }
0x3e: {  	v15 =	vld [tilespmem:s31+$0x50]  }
0x3f: {  	v16 =	vld [tilespmem:s31+$0x860]  }
0x40: {  	v17 =	vld [tilespmem:s31+$0x870]  }
0x41: {  	v18 =	vadd.s32 v0, v11;
	_ =	sdelay $0x1  }
0x42: {  	v7 =	vsub.f32 v10, v7;
	v62 =	vld [tilespmem:s31+$0x70];
	v10 =	vadd.s32 v1, v14  }
0x43: {  	v19 =	vimm.f32 $0.0e+00;
	v11 =	vld [tilespmem:s31+$0x60];
	v16 =	vadd.s32 v2, v16  }
0x44: {  	v8 =	vsub.f32 v9, v8;
	v7 =	vadd.f32 v7, v19;
	v9 =	vadd.s32 v3, v17;
	v13 =	vld.idx.msk [tilespmem:v13+s12+$0x0], $0xffff  }
0x45: {  	v63 =	vld.idx.msk [tilespmem:v18+s15+$0x0], $0xffff  }
0x46: {  	v4 =	vsub.f32 v4, v6;
	v7 =	vadd.f32 v8, v7;
	v6 =	vld.idx.msk [tilespmem:v15+s12+$0x0], $0xffff  }
0x47: {  	v5 =	vsub.f32 v12, v5;
	v8 =	vld.idx.msk [tilespmem:v10+s15+$0x0], $0xffff  }
0x48: {  	v7 =	vadd.f32 v4, v7;
	v4 =	vld.idx.msk [tilespmem:v16+s15+$0x0], $0xffff  }
0x49: {  	p6 =	por $0x0, $0x0;
	s22 =	sadd.s32 $0x30D4, s9;
	s23 =	simm.s32 $0x200;
	v10 =	vnsel vm0, $0x0, v5;
	v5 =	vld.idx.msk [tilespmem:v9+s15+$0x0], $0xffff  }
0x4a: {  	s24 =	simm.s32 $0x400;
	p0 =	por p6, p6;
	s25 =	smov.u32 s9;
	v9 =	vadd.f32 v10, v7;
	v7 =	vld.idx.msk [tilespmem:v62+s12+$0x0], $0xffff;
	v10 =	vsub.f32 v13, v63  }
.LBB2_2:
0x4b: {  	p2 =	seq.s32 s24, $0x0  }
0x4c: {  	s29 =	simm.s32 @!p0 $0x4;
	v11 =	vld.idx.msk [tilespmem:v11+s12+$0x0], $0xffff;
	s28 =	smov.u32 s24;
	s24 =	sadd.s32 $0x200, s24  }
0x4d: {  	v6 =	vsub.f32 v6, v8;
	v9 =	vadd.f32 v10, v9;
	[hbm4b:s25+s2] =	stream.linear.scatter [tilespmem:s15], [sflag:$0x4], $0xC350, $0x38;
	[tilespmem:$0x19A98] =	vst v63  }
0x4e: {  	p1 =	sne.s32 s24, $0x2000;
	s25 =	smov.u32 s22;
	_ =	swait.ge @!p0 [sflag:s29], $0xC350  }
0x4f: {  	s26 =	sshra.s32 s23, $0x2;
	[sflag:s29] =	ssyncset.done @!p0 $0x0;
	v6 =	vadd.f32 v6, v9  }
0x50: {  	[sflag:s29] =	ssyncadd.s32 @!p0 $0xFFFF3CB0;
	s29 =	sadd.s32 $0x40, s26;
	p0 =	por p2, p2  }
0x51: {  	v5 =	vsub.f32 v7, v5;
	[tilespmem:s15], [sflag:$0x2] =	stream.indirect.gather [hbm4b:s4+s13], $0x3E8, s29, s13, $0xb8;
	[tilespmem:$0x19A98] =	vst v63  }
0x52: {  	v4 =	vsub.f32 v11, v4;
	_ =	swait.ge [sflag:s16], $0xC350  }
0x53: {  	[sflag:s16] =	ssyncset.done $0x0  }
0x54: {  	v5 =	vnsel vm0, $0x0, v5;
	v4 =	vadd.f32 v4, v6;
	[sflag:s16] =	ssyncadd.s32 $0xFFFF3CB0  }
0x55: {  	v6 =	vld [tilespmem:s26+$0x20]  }
0x56: {  	v4 =	vadd.f32 v5, v4;
	v7 =	vld [tilespmem:s26+$0x830]  }
0x57: {  	v5 =	vld [tilespmem:s26+$0x820]  }
0x58: {  	v8 =	vld [tilespmem:s26+$0x800]  }
0x59: {  	v9 =	vld [tilespmem:s26+$0x810]  }
0x5a: {  	v10 =	vld [tilespmem:s26+$0x10]  }
0x5b: {  	v11 =	vld [tilespmem:s26+$0x0];
	v7 =	vadd.s32 v3, v7  }
0x5c: {  	v5 =	vadd.s32 v2, v5;
	v12 =	vld [tilespmem:s26+$0x30]  }
0x5d: {  	v8 =	vadd.s32 v0, v8;
	v6 =	vld.idx.msk [tilespmem:v6+s12+$0x0], $0xffff  }
0x5e: {  	v9 =	vadd.s32 v1, v9;
	_ =	sdelay $0x1  }
0x5f: {  	v7 =	vld.idx.msk [tilespmem:v7+s14+$0x0], $0xffff  }
0x60: {  	v5 =	vld.idx.msk [tilespmem:v5+s14+$0x0], $0xffff  }
0x61: {  	v10 =	vld.idx.msk [tilespmem:v10+s12+$0x0], $0xffff  }
0x62: {  	v11 =	vld.idx.msk [tilespmem:v11+s12+$0x0], $0xffff  }
0x63: {  	v12 =	vld.idx.msk [tilespmem:v12+s12+$0x0], $0xffff  }
0x64: {  	v9 =	vld.idx.msk [tilespmem:v9+s14+$0x0], $0xffff  }
0x65: {  	s29 =	sadd.s32 $0xFFFFE796, s22;
	v8 =	vld.idx.msk [tilespmem:v8+s14+$0x0], $0xffff  }
0x66: {  	v5 =	vsub.f32 v6, v5;
	[hbm4b:s29+s2] =	stream.linear.scatter [tilespmem:s14], [sflag:$0x3], $0xC350, $0x38;
	[tilespmem:$0x19A98] =	vst v63  }
0x67: {  	p2 =	seq.s32 s23, $0x1E00;
	_ =	swait.ge [sflag:s17], $0xC350  }
0x68: {  	s23 =	sshra.s32 @!p2 s23, $0x2;
	s29 =	simm.s32 @!p2 $0x13E8;
	[sflag:s17] =	ssyncset.done $0x0  }
0x69: {  	s30 =	simm.s32 @!p2 $0x32;
	s23 =	sadd.s32 @!p2 $0x80, s23;
	v7 =	vsub.f32 v12, v7;
	[sflag:s17] =	ssyncadd.s32 $0xFFFF3CB0  }
0x6a: {  	v6 =	vsub.f32 v10, v9;
	[tilespmem:s29], [sflag:$0x1] =	stream.indirect.gather @!p2 [hbm4b:s4+s30], $0x3E8, s23, s30, $0xb8;
	[tilespmem:$0x19A98] =	vst v63  }
0x6b: {  	v8 =	vsub.f32 v11, v8;
	s23 =	smov.u32 s28;
	_ =	swait.ge [sflag:s18], $0xC350  }
0x6c: {  	[sflag:s18] =	ssyncset.done $0x0  }
0x6d: {  	v4 =	vadd.f32 v8, v4;
	[sflag:s18] =	ssyncadd.s32 $0xFFFF3CB0  }
0x6e: {  	v8 =	vld [tilespmem:s26+$0x840]  }
0x6f: {  	v4 =	vadd.f32 v6, v4;
	v6 =	vld [tilespmem:s26+$0x40]  }
0x70: {  	v9 =	vld [tilespmem:s26+$0x850]  }
0x71: {  	v10 =	vadd.f32 v5, v4;
	v4 =	vld [tilespmem:s26+$0x50]  }
0x72: {  	v5 =	vld [tilespmem:s26+$0x860]  }
0x73: {  	v8 =	vadd.s32 v0, v8;
	v12 =	vld [tilespmem:s26+$0x870]  }
0x74: {  	v11 =	vld [tilespmem:s26+$0x60]  }
0x75: {  	v9 =	vadd.s32 v1, v9;
	v13 =	vld [tilespmem:s26+$0x70];
	_ =	sdelay $0x1  }
0x76: {  	v14 =	vld.idx.msk [tilespmem:v6+s12+$0x0], $0xffff;
	v5 =	vadd.s32 v2, v5  }
0x77: {  	v15 =	vld.idx.msk [tilespmem:v8+s15+$0x0], $0xffff;
	v12 =	vadd.s32 v3, v12  }
0x78: {  	v6 =	vld.idx.msk [tilespmem:v4+s12+$0x0], $0xffff  }
.Ltmp0:
0x79: {  	v8 =	vld.idx.msk [tilespmem:v9+s15+$0x0], $0xffff;
	(pc) =	sbr.rel @p1 .LBB2_2-.Ltmp0, $4  }
0x7a: {  	_ = 	snop  }
0x7b: {  	v4 =	vld.idx.msk [tilespmem:v5+s15+$0x0], $0xffff  }
0x7c: {  	v7 =	vnsel vm0, $0x0, v7;
	v5 =	vld.idx.msk [tilespmem:v12+s15+$0x0], $0xffff  }
0x7d: {  	s22 =	sadd.s32 $0x30D4, s22;
	v9 =	vadd.f32 v7, v10;
	v10 =	vsub.f32 v14, v15;
	v7 =	vld.idx.msk [tilespmem:v13+s12+$0x0], $0xffff  }
0x7e: {  	_ =	sdelay $0x2  }
0x7f: {  	s24 =	simm.s32 @!p0 $0x4  }
0x80: {  	v11 =	vld.idx.msk [tilespmem:v11+s12+$0x0], $0xffff;
	[hbm4b:s25+s2] =	stream.linear.scatter [tilespmem:s15], [sflag:$0x4], $0xC350, $0x38  }
0x81: {  	_ =	swait.ge @!p0 [sflag:s24], $0xC350  }
0x82: {  	s29 =	sshra.s32 s23, $0x2;
	[sflag:s24] =	ssyncset.done @!p0 $0x0  }
0x83: {  	s30 =	sadd.s32 $0x40, s29;
	[sflag:s24] =	ssyncadd.s32 @!p0 $0xFFFF3CB0  }
0x84: {  	[tilespmem:s15], [sflag:$0x2] =	stream.indirect.gather [hbm4b:s4+s13], $0x3E8, s30, s13, $0xb8;
	[tilespmem:$0x19A98] =	vst v63  }
0x85: {  	_ =	swait.ge [sflag:s16], $0xC350  }
0x86: {  	[sflag:s16] =	ssyncset.done $0x0  }
0x87: {  	[sflag:s16] =	ssyncadd.s32 $0xFFFF3CB0  }
0x88: {  	v12 =	vld [tilespmem:s29+$0x20]  }
0x89: {  	v13 =	vld [tilespmem:s29+$0x830]  }
0x8a: {  	v14 =	vld [tilespmem:s29+$0x820]  }
0x8b: {  	v17 =	vld [tilespmem:s29+$0x10]  }
0x8c: {  	v18 =	vld [tilespmem:s29+$0x0]  }
0x8d: {  	v19 =	vld [tilespmem:s29+$0x30]  }
0x8e: {  	v16 =	vld [tilespmem:s29+$0x810]  }
0x8f: {  	v15 =	vld [tilespmem:s29+$0x800];
	_ =	sdelay $0x1  }
0x90: {  	v13 =	vadd.s32 v3, v13  }
0x91: {  	v14 =	vadd.s32 v2, v14;
	v12 =	vld.idx.msk [tilespmem:v12+s12+$0x0], $0xffff  }
0x92: {  	v16 =	vadd.s32 v1, v16;
	v17 =	vld.idx.msk [tilespmem:v17+s12+$0x0], $0xffff  }
0x93: {  	v15 =	vadd.s32 v0, v15;
	v18 =	vld.idx.msk [tilespmem:v18+s12+$0x0], $0xffff  }
0x94: {  	v19 =	vld.idx.msk [tilespmem:v19+s12+$0x0], $0xffff  }
0x95: {  	v13 =	vld.idx.msk [tilespmem:v13+s14+$0x0], $0xffff  }
0x96: {  	v14 =	vld.idx.msk [tilespmem:v14+s14+$0x0], $0xffff  }
0x97: {  	s31 =	sadd.s32 $0xFFFFE796, s22;
	v16 =	vld.idx.msk [tilespmem:v16+s14+$0x0], $0xffff  }
0x98: {  	v15 =	vld.idx.msk [tilespmem:v15+s14+$0x0], $0xffff;
	[hbm4b:s31+s2] =	stream.linear.scatter [tilespmem:s14], [sflag:$0x3], $0xC350, $0x38  }
0x99: {  	p0 =	seq.s32 s23, $0x1E00;
	_ =	swait.ge [sflag:s17], $0xC350  }
0x9a: {  	s23 =	sshra.s32 @!p0 s23, $0x2;
	s24 =	simm.s32 @!p0 $0x13E8;
	[sflag:s17] =	ssyncset.done $0x0  }
0x9b: {  	s26 =	simm.s32 @!p0 $0x32;
	s23 =	sadd.s32 @!p0 $0x80, s23;
	[sflag:s17] =	ssyncadd.s32 $0xFFFF3CB0  }
0x9c: {  	[tilespmem:s24], [sflag:$0x1] =	stream.indirect.gather @!p0 [hbm4b:s4+s26], $0x3E8, s23, s26, $0xb8;
	[tilespmem:$0x19A98] =	vst v63  }
0x9d: {  	_ =	swait.ge [sflag:s18], $0xC350  }
0x9e: {  	[sflag:s18] =	ssyncset.done $0x0  }
0x9f: {  	[sflag:s18] =	ssyncadd.s32 $0xFFFF3CB0  }
0xa0: {  	v20 =	vld [tilespmem:s29+$0x840]  }
0xa1: {  	v21 =	vld [tilespmem:s29+$0x40]  }
0xa2: {  	v22 =	vld [tilespmem:s29+$0x850]  }
0xa3: {  	v6 =	vsub.f32 v6, v8;
	v9 =	vadd.f32 v10, v9;
	v49 =	vld [tilespmem:s29+$0x50]  }
0xa4: {  	v50 =	vld [tilespmem:s29+$0x860]  }
0xa5: {  	v6 =	vadd.f32 v6, v9;
	v4 =	vsub.f32 v11, v4;
	v53 =	vld [tilespmem:s29+$0x60]  }
0xa6: {  	v5 =	vsub.f32 v7, v5;
	v51 =	vld [tilespmem:s29+$0x870]  }
0xa7: {  	v4 =	vadd.f32 v4, v6;
	v55 =	vld [tilespmem:s29+$0x70];
	v52 =	vadd.s32 v0, v20  }
0xa8: {  	v5 =	vnsel vm0, $0x0, v5  }
0xa9: {  	v4 =	vadd.f32 v5, v4;
	v5 =	vsub.f32 v18, v15;
	v54 =	vadd.s32 v1, v22  }
0xaa: {  	v56 =	vld.idx.msk [tilespmem:v21+s12+$0x0], $0xffff  }
0xab: {  	v16 =	vsub.f32 v17, v16;
	v4 =	vadd.f32 v5, v4;
	v10 =	vadd.s32 v2, v50;
	v57 =	vld.idx.msk [tilespmem:v49+s12+$0x0], $0xffff  }
0xac: {  	v9 =	vadd.s32 v3, v51;
	v5 =	vld.idx.msk [tilespmem:v52+s15+$0x0], $0xffff  }
0xad: {  	v58 =	vsub.f32 v12, v14;
	v4 =	vadd.f32 v16, v4;
	v6 =	vld.idx.msk [tilespmem:v53+s12+$0x0], $0xffff  }
0xae: {  	v59 =	vsub.f32 v19, v13;
	v11 =	vld.idx.msk [tilespmem:v54+s15+$0x0], $0xffff  }
0xaf: {  	v4 =	vadd.f32 v58, v4;
	v62 =	vld.idx.msk [tilespmem:v55+s12+$0x0], $0xffff  }
0xb0: {  	v61 =	vnsel vm0, $0x0, v59;
	v10 =	vld.idx.msk [tilespmem:v10+s15+$0x0], $0xffff  }
0xb1: {  	v4 =	vadd.f32 v61, v4;
	v60 =	vld.idx.msk [tilespmem:v9+s15+$0x0], $0xffff;
	v5 =	vsub.f32 v56, v5;
	_ =	sdelay $0x1  }
0xb2: {  	v4 =	vadd.f32 v5, v4;
	v5 =	vsub.f32 v57, v11;
	_ =	sdelay $0x1  }
0xb3: {  	v4 =	vadd.f32 v5, v4;
	v5 =	vsub.f32 v6, v10  }
0xb4: {  	v63 =	vsub.f32 v62, v60  }
0xb5: {  	[hbm4b:s22+s2] =	stream.linear.scatter [tilespmem:s15], [sflag:$0x4], $0xC350, $0x38;
	v4 =	vadd.f32 v5, v4;
	[tilespmem:$0x19A98] =	vst v63  }
0xb6: {  	_ =	swait.ge [sflag:s19], $0xC350;
	v5 =	vnsel vm0, $0x0, v63  }
0xb7: {  	s21 =	sadd.s32 $0x1, s21;
	[sflag:s19] =	ssyncset.done $0x0;
	v4 =	vadd.f32 v5, v4  }
0xb8: {  	p0 =	sne.s32 s21, s8;
	[sflag:s19] =	ssyncadd.s32 $0xFFFF3CB0  }
.Ltmp1:
0xb9: {  	[tilespmem:$0x19A88] =	vst v4;
	(pc) =	sbr.rel @p0 .LBB2_1-.Ltmp1, $4  }
0xba: {  	[hbm4b:s7+s2] =	stream.linear.scatter [tilespmem:s20], [sflag:$0x5], $0x10, $0x38;
	[tilespmem:$0x19A98] =	vst v63  }
0xbb: {  	_ =	swait.ge [sflag:s10], $0x10  }
0xbc: {  	[sflag:s10] =	ssyncset.done $0x0  }
0xbd: {  	[sflag:s10] =	ssyncadd.s32 $0xFFFFFFF0  }
0xbe: {  	_ =	sfence.sel $0x180000  }
0xbf: {  	[bflag:$0x0] =	sbarrier.arrive $0xFFFF  }
0xc0: {  	p0 =	sne.s32 s0, $0x0;
	_ =	strace $0x90000047  }
0xc1: {  	s0 =	sadd.s32 @!p0 $0x100000, s1;
	[bflag:$0x2] =	sbarrier.arrive $0xFFFF  }
0xc2: {  	[sflag:s0] =	ssyncadd.tile.s32 @!p0 $0x1;
	_ =	shalt  }
.Lfunc_end2:
_tile_overlayer_lowered:
.L_overlay_start_2:
0xc3: {  	(tag) =	ssettag $0x2  }
0xc4: {  	s0 =	rddreg [dreg:$0x0];
	s2 =	stileid.u32  }
0xc5: {  	s1 =	rddreg [dreg:$0x1];
	p0 =	sne.s32 s2, $0x0  }
0xc6: {  	s3 =	rddreg [dreg:$0x2];
	[bflag:$0x3] =	sbarrier.arrive $0xFFFF;
	s2 =	simm.s32 @!p0 $0x1C05  }
0xc7: {  	[timem:s3], [sflag:s2] =	dma.local @!p0 [hbm:s0], s1  }
0xc8: {  	s0 =	simm.s32 @!p0 $0x5  }
0xc9: {  	_ =	swait.ge @!p0 [sflag:s0], s1  }
0xca: {  	s1 =	ssub.s32 @!p0 $0x0, s1;
	[sflag:s0] =	ssyncset.done @!p0 $0x0  }
0xcb: {  	[sflag:s0] =	ssyncadd.s32 @!p0 s1  }
0xcc: {  	[bflag:$0x3] =	sbarrier.arrive $0xFFFF  }
0xcd: {  	_ =	shalt  }

// kernel: sparse-core-data-format-call.cloned.1.call-start
scs
called_computation_lowered:
.L_overlay_start_0:
0x0: {  	s2 =	sld [smem:$0x3FD9]  }
0x1: {  	s3 =	sld [smem:$0x3FFE];
	_ =	sdelay $0x1  }
0x2: {  	s1 =	srdreg.scid  }
0x3: {  	s0 =	sand.u32 $0x1, s1  }
0x4: {  	s15 =	sshll.u32 s0, $0xA;
	s2 =	sadd.s32 s3, s2  }
0x5: {  	s2 =	sadd.s32 s2, s15  }
0x6: {  	[smem:$0x3FC5] =	sst s2  }
0x7: {  	_ = 	snop  }
0x8: {  	s2 =	sld [smem:$0x3FD0];
	_ =	sdelay $0x2  }
0x9: {  	s16 =	simm.s32 $0xA;
	s4 =	simm.s32 $0x10  }
0xa: {  	[smem:s4], [sflag:s16] =	dma.local [hbm:s2], $0x1  }
0xb: {  	_ =	swait.eq [sflag:s16], $0x1  }
0xc: {  	[sflag:s16] =	ssyncset.done $0x0  }
0xd: {  	[sflag:s16] =	ssyncadd.s32 $0xFFFFFFFF  }
0xe: {  	s17 =	sld [smem:$0x10];
	(tm) =	ssettm $0x1  }
0xf: {  	s18 =	sld [smem:$0x3FFB];
	_ =	sdelay $0x3  }
0x10: {  	_ =	strace s18  }
0x11: {  	s3 =	sld [smem:$0x3FFC];
	_ =	sdelay $0x3  }
0x12: {  	_ =	strace s3  }
0x13: {  	s3 =	sld [smem:$0x3FFD];
	_ =	sdelay $0x3  }
0x14: {  	_ =	strace s3  }
0x15: {  	_ =	strace $0x8FFFFFFF  }
0x16: {  	s19 =	sld [smem:$0x3FDB];
	_ =	sdelay $0x1  }
0x17: {  	s20 =	simm.s32 $_scs_section_size  }
0x18: {  	s5 =	simm.s32 $_size__tile_overlayer_lowered;
	s6 =	simm.s32 $_tile_overlayer_lowered  }
0x19: {  	s23 =	simm.s32 $0x1BFF;
	s22 =	sshll.u32 s6, $0x1;
	s3 =	sadd.s32 s20, s19  }
0x1a: {  	s7 =	simm.s32 $0x0;
	s21 =	sshll.u32 s5, $0x1;
	s5 =	sadd.s32 s22, s3  }
0x1b: {  	[timem:s7], [sflag:s23] =	dma.local [hbm:s5], s21  }
0x1c: {  	_ =	swait.ge [sflag:s23], s21  }
0x1d: {  	s4 =	ssub.s32 $0x0, s21;
	[sflag:s23] =	ssyncset.done $0x0  }
0x1e: {  	[sflag:s23] =	ssyncadd.s32 s4;
	_ =	sdelay $0x1  }
0x1f: {  	s24 =	simm.s32 $0x1B8B  }
0x20: {  	_ =	swait.ge [sflag:s24], $0x1  }
0x21: {  	[sflag:s24] =	ssyncset.done $0x0  }
0x22: {  	s26 =	simm.s32 $0x1B8E;
	s25 =	sld [smem:$0x3FFE];
	[sflag:s24] =	ssyncadd.s32 $0xFFFFFFFF  }
0x23: {  	s27 =	simm.s32 $execute0_lowered;
	[smem:$0x3FD2] =	sst s26  }
0x24: {  	s5 =	sshll.u32 s27, $0x1;
	_ =	strace $0x80000049;
	[dreg:$0x1] =	wrdreg $0xFFFFFFFF  }
0x25: {  	s28 =	simm.s32 $_size_execute0_lowered;
	s3 =	sadd.s32 s3, s5;
	[dreg:$0x0] =	wrdreg $0x0  }
0x26: {  	s5 =	sshll.u32 s28, $0x1;
	[dreg:$0x2] =	wrdreg s3  }
0x27: {  	[dreg:$0x3] =	wrdreg s5  }
0x28: {  	[dreg:$0x4] =	wrdreg $0xC0  }
0x29: {  	_ =	task [dreg:s7], $0x5FFFF  }
0x2a: {  	[dreg:$0x1] =	wrdreg $0xFFFFFFFF  }
0x2b: {  	[dreg:$0x0] =	wrdreg $0x60  }
0x2c: {  	[dreg:$0x2] =	wrdreg s25  }
0x2d: {  	[dreg:$0x3] =	wrdreg s17  }
0x2e: {  	[dreg:$0x4] =	wrdreg $0x9  }
0x2f: {  	_ =	task.clear_ibuf [dreg:s7], $0x5FFFF;
	_ =	strace $0x90000049  }
0x30: {  	s29 =	simm.s32 $0x9;
	_ =	strace $0x8000004B  }
0x31: {  	_ =	swait.ge [sflag:s29], $0x1  }
0x32: {  	[sflag:s29] =	ssyncadd.s32 $0xFFFFFFFF  }
0x33: {  	_ =	strace $0x9000004B  }
0x34: {  	_ =	sfence  }
0x35: {  	s30 =	sld [smem:$0x0];
	_ =	sdelay $0x2  }
0x36: {  	s31 =	sshll.u32 s1, $0xD;
	s1 =	sshrl.u32 s1, $0x2  }
0x37: {  	s3 =	sand.u32 $0x4000, s31;
	s1 =	sadd.s32 s1, s30  }
0x38: {  	s0 =	sor.u32 s3, s0;
	s1 =	sshll.u32 s1, $0x11  }
0x39: {  	s0 =	sor.u32 s1, s0  }
0x3a: {  	s0 =	sadd.s32 $0x8F2B, s0  }
0x3b: {  	[sflag:s0] =	ssyncadd.remote.s32 $0x1  }
0x3c: {  	_ =	sfence.sel $0xFFFF  }
0x3d: {  	[dreg:$0x0] =	wrdreg $0xFFFFFFFF;
	(pc) =	sbr.abs _section_cstart, $3  }
0x3e: {  	[dreg:$0x1] =	wrdreg $0xFFFFFFFF  }
0x3f: {  	_ =	task.clear_ibuf [dreg:s7], $0x2FFFF;
	_ =	strace $0x9FFFFFFF  }
0x40: {  	(tm) =	ssettm $0x7FFFFFFF  }
0x41: {  	_ =	shalt  }
tec
execute0_lowered:
.L_overlay_start_1:
0x0: {  	(tag) =	ssettag $0x1  }
0x1: {  	s4 =	rddreg [dreg:$0x0]  }
0x2: {  	s0 =	stileid.u32;
	s2 =	rddreg [dreg:$0x1]  }
0x3: {  	s7 =	srdreg.scid;
	s31 =	simm.s32 $0x2;
	s17 =	simm.s32 $0x0  }
0x4: {  	s9 =	simm.s32 $0x2000;
	s19 =	simm.s32 $0x0;
	s18 =	simm.s32 $0x0  }
0x5: {  	s10 =	simm.s32 $0x0;
	s11 =	simm.s32 $0x0;
	s1 =	sshll.u32 s0, $0x7  }
0x6: {  	s12 =	simm.s32 $0x0;
	s14 =	simm.s32 $0x0;
	s3 =	sand.u32 $0x380, s1  }
0x7: {  	s16 =	simm.s32 $0x0;
	s4 =	sadd.s32 $0x23C00, s4;
	s5 =	ssub.s32 $0x400, s3  }
0x8: {  	s8 =	sshll.u32 s0, $0x4;
	s7 =	sshll.u32 s7, $0x8;
	s6 =	sand.u32 $0x380, s5  }
0x9: {  	s1 =	rddreg [dreg:$0x2];
	p0 =	sne.s32 s6, $0x0;
	s6 =	simm.s32 $0x1  }
.Ltmp0:
0xa: {  	s5 =	sshrl.u32 s5, $0xA;
	s6 =	simm.s32 @!p0 $0x0;
	(pc) =	sbr.rel .LBB1_1-.Ltmp0, $4  }
0xb: {  	_ =	strace $0x8000004A;
	s7 =	sor.u32 s8, s7;
	s6 =	sadd.s32 s6, s5  }
0xc: {  	s7 =	sand.u32 $0x180, s7;
	s5 =	simm.s32 $0x1;
	s6 =	smul.u32 $0x64, s6  }
0xd: {  	s15 =	smov.u32 s3;
	s13 =	smov.u32 s7;
	[sflag:s5] =	ssyncpa.u1 $0x0  }
0xe: {  	p0 =	por $0x0, $0x0;
	[sflag:s31] =	ssyncpa.u1 $0x0;
	s8 =	sor.u32 $0x1, s6  }
.LBB1_4:
0xf: {  	s25 =	sshll.u32 s10, $0xA;
	s24 =	sshra.s32 s24, $0x2;
	s26 =	sshll.u32 s12, $0x3  }
0x10: {  	p1 =	sgt.s32 s11, $0x31;
	s27 =	smov.u32 s11;
	s28 =	sshra.s32 s11, $0x1F  }
0x11: {  	p2 =	sgt.s32 s12, $0x380;
	s31 =	sshra.s32 s12, $0x1F;
	s25 =	sand.u32 $0xFFFFE000, s25  }
0x12: {  	s26 =	sand.u32 $0xFFFFFC00, s26;
	s27 =	simm.s32 @!p1 $0x31;
	s28 =	sand.u32 s28, s11  }
0x13: {  	[tilespmem:s22+$0x2040 ss:$0x81] =	vst.msk $0xffff, v4;
	s23 =	sadd.s32 s24, s23;
	s29 =	sadd.s32 s26, s25;
	s25 =	ssub.s32 s27, s28  }
0x14: {  	[tilespmem:s22+$0x2850 ss:$0x81] =	vst.msk $0xffff, v3;
	s27 =	smov.u32 s12;
	s28 =	smov.u32 s10;
	s26 =	sand.u32 s31, s12  }
0x15: {  	[tilespmem:s22+$0x3060 ss:$0x81] =	vst.msk $0xffff, v2;
	s24 =	sshrl.u32 s29, $0xA;
	s30 =	sadd.s32 $0xFFFFFFCF, s25;
	s27 =	simm.s32 @!p2 $0x380  }
0x16: {  	v5 =	vld [tilespmem:s21+$0xFFFFFFD0];
	[tilespmem:s22+$0x0 ss:$0x81] =	vst.msk $0xffff, v1;
	p2 =	sgt.s32 s10, $0x368;
	s29 =	sshra.s32 s10, $0x1F;
	s22 =	ssub.s32 $0x32, s25  }
0x17: {  	v58 =	vld [tilespmem:s21+$0xFFFFFFE0];
	p1 =	sgt.s32 s30, $0x0;
	s28 =	simm.s32 @!p2 $0x368;
	s29 =	sand.u32 s29, s10  }
0x18: {  	v59 =	vld [tilespmem:s21+$0xFFFFFFF0];
	s26 =	ssub.s32 s27, s26;
	s27 =	smulhi.u32 $0x418938, s24;
	s28 =	ssub.s32 s28, s29  }
0x19: {  	v60 =	vld [tilespmem:s21+$0x0];
	s30 =	sadd.s32 $0xFFFFFC80, s26;
	s25 =	ssub.s32 $0x400, s26;
	s22 =	simm.s32 @p1 $0x0  }
0x1a: {  	v61 =	vld [tilespmem:s21+$0x10];
	[tilespmem:s23+$0x3870 ss:$0x81] =	vst.msk $0xffff, v0;
	s29 =	sand.u32 $0x78, s12;
	p2 =	sgt.s32 s30, $0x7F;
	s31 =	sadd.s32 $0xFFFFFC98, s28  }
0x1b: {  	v62 =	vld [tilespmem:s21+$0x20];
	[tilespmem:s23+$0x810 ss:$0x81] =	vst.msk $0xffff, v5;
	s27 =	smul.u32 $0x3E8, s27;
	s30 =	sshll.u32 s10, $0x7;
	s28 =	ssub.s32 $0x3E8, s28  }
0x1c: {  	v63 =	vld [tilespmem:s21+$0xFFFFFFC0];
	[tilespmem:s23+$0x1020 ss:$0x81] =	vst.msk $0xffff, v58;
	s25 =	simm.s32 @p2 $0x0;
	p1 =	sgt.s32 s31, $0x7F;
	s31 =	smul.u32 $0x1F400, s11  }
0x1d: {  	[tilespmem:s23+$0x1830 ss:$0x81] =	vst.msk $0xffff, v59;
	s21 =	sand.u32 $0x380, s30;
	s22 =	smul.u32 s25, s22;
	s28 =	simm.s32 @p1 $0x0  }
0x1e: {  	[tilespmem:s23+$0x2040 ss:$0x81] =	vst.msk $0xffff, v60;
	s21 =	sor.u32 s29, s21;
	s24 =	ssub.s32 s24, s27;
	s29 =	sand.u32 $0x7, s12  }
0x1f: {  	[tilespmem:s23+$0x2850 ss:$0x81] =	vst.msk $0xffff, v61;
	s21 =	sshrl.u32 s21, $0x3;
	s25 =	sadd.s32 s2, s31;
	s22 =	smul.u32 s28, s22  }
0x20: {  	[tilespmem:s23+$0x3060 ss:$0x81] =	vst.msk $0xffff, v62;
	s24 =	sshll.u32 s24, $0x7;
	s30 =	sshll.u32 s29, $0x12;
	s21 =	sadd.s32 s21, s25  }
0x21: {  	[tilespmem:s23+$0x0 ss:$0x81] =	vst.msk $0xffff, v63;
	s31 =	sor.u32 $0x400, s30;
	s21 =	sadd.s32 s24, s21;
	s22 =	sand.u32 $0x3FFFFFFF, s22  }
0x22: {  	[hbm4b:s21+s31] =	stream.strided.scatter [tilespmem:s20], [sflag:$0x2], s22, s9, s31, $0x20;
	[tilespmem:$0x10100] =	vst v63  }
.LBB1_5:
0x23: {  	p1 =	slt.u32 s16, $0x2  }
0x24: {  	p2 =	sgt.s32 @!p1 s19, $0x31  }
0x25: {  	s20 =	smov.u32 s19;
	s21 =	sshra.s32 @!p1 s19, $0x1F;
	p2 =	por !p2, p1  }
0x26: {  	s19 =	sand.u32 @!p1 s21, s19;
	s20 =	simm.s32 @p2 $0x31  }
0x27: {  	p3 =	sgt.s32 @!p1 s17, $0x368;
	s19 =	ssub.s32 @!p1 s20, s19  }
0x28: {  	p4 =	sgt.s32 @!p1 s18, $0x380;
	s22 =	sshra.s32 @!p1 s18, $0x1F;
	s20 =	sadd.s32 @!p1 $0xFFFFFFCF, s19  }
0x29: {  	s21 =	smov.u32 s17;
	p2 =	sgt.s32 @!p1 s20, $0x0;
	s20 =	sshra.s32 @!p1 s17, $0x1F  }
0x2a: {  	p4 =	por !p4, p1;
	s17 =	sand.u32 @!p1 s20, s17;
	s20 =	smov.u32 s18  }
0x2b: {  	p3 =	por !p3, p1;
	s18 =	sand.u32 @!p1 s22, s18;
	s20 =	simm.s32 @p4 $0x380  }
0x2c: {  	s21 =	simm.s32 @p3 $0x368;
	s19 =	ssub.s32 @!p1 $0x32, s19;
	s18 =	ssub.s32 @!p1 s20, s18  }
0x2d: {  	p2 =	por !p2, p1;
	s17 =	ssub.s32 @!p1 s21, s17;
	s21 =	sadd.s32 @!p1 $0xFFFFFC80, s18  }
0x2e: {  	s19 =	simm.s32 @!p2 $0x0;
	p3 =	sgt.s32 @!p1 s21, $0x7F  }
0x2f: {  	s20 =	sadd.s32 @!p1 $0xFFFFFC98, s17;
	s18 =	ssub.s32 @!p1 $0x400, s18;
	p3 =	por !p3, p1  }
0x30: {  	p2 =	sgt.s32 @!p1 s20, $0x7F;
	s20 =	sadd.s32 $0x200, s13;
	s18 =	simm.s32 @!p3 $0x0  }
0x31: {  	p3 =	sgt.s32 s20, $0x3E7;
	s18 =	smul.u32 @!p1 s18, s19;
	s19 =	simm.s32 $0x1  }
0x32: {  	s17 =	ssub.s32 @!p1 $0x3E8, s17;
	p2 =	por !p2, p1;
	s19 =	simm.s32 @!p3 $0x0  }
0x33: {  	s22 =	smov.u32 s15;
	s17 =	simm.s32 @!p2 $0x0;
	s21 =	sadd.s32 s19, s14  }
0x34: {  	s17 =	smul.u32 @!p1 s17, s18;
	s18 =	sadd.s32 $0x400, s15;
	p2 =	sgt.s32 s21, $0x31  }
0x35: {  	p0 =	por !p0, !p0;
	s23 =	simm.s32 @!p1 $0x2;
	s22 =	smov.u32 @p2 s18  }
0x36: {  	s20 =	smov.u32 @p3 s7;
	s21 =	simm.s32 @p2 $0x0;
	p2 =	sgt.s32 s22, $0x3FF  }
0x37: {  	s19 =	smov.u32 s11;
	s22 =	smov.u32 @p2 s3;
	p2 =	sne.s32 s16, s8  }
.Ltmp1:
0x38: {  	s11 =	smov.u32 s14;
	s17 =	sand.u32 @!p1 $0x3FFFFFFF, s17;
	(pc) =	sbr.rel @!p2 .LBB1_6-.Ltmp1, $4  }
0x39: {  	s18 =	smov.u32 s12;
	s12 =	smov.u32 s15;
	_ =	swait.ge @!p1 [sflag:s23], s17  }
0x3a: {  	s24 =	ssub.s32 @!p1 $0x0, s17;
	s17 =	smov.u32 s10;
	s10 =	smov.u32 s13  }
0x3b: {  	s13 =	smov.u32 s20;
	s14 =	smov.u32 s21;
	[sflag:s23] =	ssyncset.done @!p1 $0x0  }
0x3c: {  	s16 =	sadd.s32 $0x1, s16;
	[sflag:s23] =	ssyncadd.s32 @!p1 s24;
	s15 =	smov.u32 s22  }
.LBB1_1:
0x3d: {  	p1 =	sge.u32 s16, s6  }
0x3e: {  	s20 =	sshll.u32 @!p1 s14, $0xA  }
0x3f: {  	s21 =	sshll.u32 @!p1 s13, $0x3;
	s20 =	sand.u32 @!p1 $0xFFFFE000, s20  }
0x40: {  	s20 =	sadd.s32 @!p1 s20, s21  }
0x41: {  	s20 =	sshrl.u32 @!p1 s20, $0xA  }
0x42: {  	s21 =	smulhi.u32 @!p1 $0x4924925, s20  }
0x43: {  	s22 =	sshll.u32 @!p1 s14, $0x7;
	s24 =	smul.u32 @!p1 $0x1C00, s15  }
0x44: {  	s23 =	sand.u32 @!p1 $0x78, s13;
	s22 =	sand.u32 @!p1 $0x380, s22;
	s21 =	smul.u32 @!p1 $0x38, s21  }
0x45: {  	s31 =	sadd.s32 $0xFFFFFFFF, s16;
	s22 =	sor.u32 @!p1 s23, s22;
	s23 =	sadd.s32 @!p1 s4, s24  }
0x46: {  	s22 =	sshrl.u32 @!p1 s22, $0x3;
	s20 =	ssub.s32 @!p1 s20, s21;
	s21 =	sxor.u32 @!p1 $0xFFFFFFFF, s16  }
0x47: {  	s22 =	sadd.s32 @!p1 s22, s23;
	s23 =	sand.u32 @!p1 $0x7, s13;
	s21 =	sshll.u32 @!p1 s21, $0xE  }
0x48: {  	s23 =	sshll.u32 @!p1 s23, $0x12;
	s20 =	sshll.u32 @!p1 s20, $0x7;
	s21 =	sand.u32 @!p1 $0x4000, s21  }
0x49: {  	s20 =	sadd.s32 @!p1 s20, s22;
	s22 =	sor.u32 @!p1 $0x80, s23;
	s23 =	simm.s32 @!p1 $0xE000  }
0x4a: {  	[tilespmem:s21], [sflag:$0x1] =	stream.strided.gather @!p1 [hbm4b:s20+s22], $0x4000, s23, s22, $0x38;
	[tilespmem:$0x10100] =	vst v63  }
0x4b: {  	p1 =	sge.u32 s31, s6  }
.Ltmp2:
0x4c: {  	_ = 	snop;
	(pc) =	sbr.rel @p1 .LBB1_5-.Ltmp2, $1  }
0x4d: {  	_ =	sdelay $0x3  }
0x4e: {  	s20 =	simm.s32 $0x1  }
0x4f: {  	_ =	swait.ge [sflag:s5], $0x4000;
	s20 =	simm.s32 @!p0 $0x0  }
0x50: {  	[sflag:s5] =	ssyncset.done $0x0;
	s21 =	sshll.u32 s20, $0xE  }
0x51: {  	[sflag:s5] =	ssyncadd.s32 $0xFFFFC000;
	s21 =	sor.u32 $0x40, s21  }
0x52: {  	s20 =	smul.u32 $0x10200, s20;
	v0 =	vld [tilespmem:s21+$0x30]  }
0x53: {  	v1 =	vld [tilespmem:s21+$0xFFFFFFD0]  }
0x54: {  	s20 =	sshrl.u32 s20, $0x2;
	v5 =	vld [tilespmem:s21+$0xFFFFFFE0]  }
0x55: {  	v6 =	vld [tilespmem:s21+$0xFFFFFFF0];
	s23 =	sor.u32 $0x8000, s20  }
0x56: {  	s31 =	sand.u32 $0x1, s16;
	v4 =	vld [tilespmem:s21+$0x0];
	s22 =	sadd.s32 $0x0, s23  }
0x57: {  	v3 =	vld [tilespmem:s21+$0x10];
	s20 =	smul.u32 $0x10200, s31;
	[tilespmem:s22+$0x3870 ss:$0x81] =	vst.msk $0xffff, v0  }
0x58: {  	v2 =	vld [tilespmem:s21+$0x20];
	[tilespmem:s22+$0x810 ss:$0x81] =	vst.msk $0xffff, v1  }
0x59: {  	s20 =	sshrl.u32 s20, $0x2;
	v1 =	vld [tilespmem:s21+$0xFFFFFFC0];
	[tilespmem:s22+$0x1020 ss:$0x81] =	vst.msk $0xffff, v5;
	s21 =	sadd.s32 $0x80, s21  }
0x5a: {  	s24 =	simm.s32 $0x4;
	s25 =	simm.s32 $0x8;
	s20 =	sor.u32 $0x8000, s20;
	[tilespmem:s22+$0x1830 ss:$0x81] =	vst.msk $0xffff, v6;
	v0 =	vld [tilespmem:s21+$0x30]  }
.LBB1_3:
0x5b: {  	p1 =	sne.s32 s25, $0x1FC;
	v5 =	vld [tilespmem:s21+$0xFFFFFFD0];
	[tilespmem:s22+$0x2040 ss:$0x81] =	vst.msk $0xffff, v4  }
0x5c: {  	v6 =	vld [tilespmem:s21+$0xFFFFFFE0];
	[tilespmem:s22+$0x2850 ss:$0x81] =	vst.msk $0xffff, v3  }
0x5d: {  	s26 =	sshra.s32 s24, $0x2;
	s24 =	smov.u32 s25;
	v7 =	vld [tilespmem:s21+$0xFFFFFFF0];
	[tilespmem:s22+$0x3060 ss:$0x81] =	vst.msk $0xffff, v2  }
.Ltmp3:
0x5e: {  	v4 =	vld [tilespmem:s21+$0x0];
	[tilespmem:s22+$0x0 ss:$0x81] =	vst.msk $0xffff, v1;
	s22 =	sadd.s32 s26, s23;
	(pc) =	sbr.rel @p1 .LBB1_3-.Ltmp3, $4  }
0x5f: {  	v3 =	vld [tilespmem:s21+$0x10];
	[tilespmem:s22+$0x3870 ss:$0x81] =	vst.msk $0xffff, v0  }
0x60: {  	[tilespmem:s22+$0x810 ss:$0x81] =	vst.msk $0xffff, v5;
	v2 =	vld [tilespmem:s21+$0x20]  }
0x61: {  	v1 =	vld [tilespmem:s21+$0xFFFFFFC0];
	[tilespmem:s22+$0x1020 ss:$0x81] =	vst.msk $0xffff, v6;
	s21 =	sadd.s32 $0x80, s21  }
0x62: {  	s25 =	sadd.s32 $0x4, s25;
	v0 =	vld [tilespmem:s21+$0x30];
	[tilespmem:s22+$0x1830 ss:$0x81] =	vst.msk $0xffff, v7  }
.Ltmp4:
0x63: {  	_ = 	snop;
	(pc) =	sbr.rel .LBB1_4-.Ltmp4, $1  }
0x64: {  	_ =	sdelay $0x3  }
.LBB1_6:
0x65: {  	_ =	sfence.sel $0x180000  }
0x66: {  	s2 =	simm.s32 $0x1;
	[bflag:$0x0] =	sbarrier.arrive $0xFFFF  }
0x67: {  	s31 =	simm.s32 $0x2;
	[sflag:s2] =	ssyncpa.u1 $0x1  }
0x68: {  	[sflag:s31] =	ssyncpa.u1 $0x1  }
0x69: {  	p0 =	sne.s32 s0, $0x0;
	_ =	strace $0x9000004A  }
0x6a: {  	s0 =	sadd.s32 @!p0 $0x100000, s1;
	[bflag:$0x2] =	sbarrier.arrive $0xFFFF  }
0x6b: {  	[sflag:s0] =	ssyncadd.tile.s32 @!p0 $0x1;
	_ =	shalt  }
.Lfunc_end1:
_tile_overlayer_lowered:
.L_overlay_start_2:
0x6c: {  	(tag) =	ssettag $0x2  }
0x6d: {  	s0 =	rddreg [dreg:$0x0];
	s2 =	stileid.u32  }
0x6e: {  	s1 =	rddreg [dreg:$0x1];
	p0 =	sne.s32 s2, $0x0  }
0x6f: {  	s3 =	rddreg [dreg:$0x2];
	[bflag:$0x3] =	sbarrier.arrive $0xFFFF;
	s2 =	simm.s32 @!p0 $0x1C01  }
0x70: {  	[timem:s3], [sflag:s2] =	dma.local @!p0 [hbm:s0], s1  }
0x71: {  	s0 =	simm.s32 @!p0 $0x1  }
0x72: {  	_ =	swait.ge @!p0 [sflag:s0], s1  }
0x73: {  	s1 =	ssub.s32 @!p0 $0x0, s1;
	[sflag:s0] =	ssyncset.done @!p0 $0x0  }
0x74: {  	[sflag:s0] =	ssyncadd.s32 @!p0 s1  }
0x75: {  	[bflag:$0x3] =	sbarrier.arrive $0xFFFF  }
0x76: {  	_ =	shalt  }

</sc_bundles>
